<compile_context>
chip_gen: v7x
topology: tpu7x:2x2x1
jax: 0.10.2.dev20260603
libtpu: 0.0.44.dev20260713+nightly
codegen_flags: <defaults>
</compile_context>

<pallas_src>
import functools
import jax
import jax.numpy as jnp
from jax import lax
from jax.experimental import pallas as pl
from jax.experimental.pallas import tpu as pltpu
from jax.experimental.pallas import tpu_sc as plsc

_N = 10000
_E = 320000
_HE = 10000
_G = 64
_F = 128

_NC = 2
_NS = 16
_W = 80
_EPT = _E // (_NC * _NS)
_NWIN = _EPT // _W
_NP = 10240
_RPT = _NP // _NS
_ZR = 64

_CPAD = 10240
_CPT = _CPAD // _NS


def _sc_mesh():
    return plsc.VectorSubcoreMesh(
        core_axis_name="c", subcore_axis_name="s",
        num_cores=_NC, num_subcores=_NS)



def _phase_body(table, src, dst, out, *refs):
    (is0, is1, is2, is3, id0, id1, id2, id3, id4,
     r0_, r1_, r2_, r3_, accum, sem_i, sem_g, sem_s) = refs
    IS = (is0, is1, is2, is3)
    ID = (id0, id1, id2, id3, id4)
    RW = (r0_, r1_, r2_, r3_)
    c = lax.axis_index("c")
    s = lax.axis_index("s")
    tile = c * _NS + s
    ebase = tile * _EPT
    row0 = s * _RPT

    zeros16 = jnp.zeros((16,), jnp.float32)

    def zrow(r, carry):
        for j in range(8):
            RW[0][r, pl.ds(j * 16, 16)] = zeros16
        return carry
    lax.fori_loop(0, _W, zrow, 0)
    for k in range(_RPT // _W):
        pltpu.sync_copy(RW[0], accum.at[pl.ds(row0 + k * _W, _W)])
    plsc.subcore_barrier()

    def issue_idx(w, s4, s5):
        base = ebase + w * _W
        pltpu.async_copy(src.at[pl.ds(base, _W)], IS[s4], sem_i)
        pltpu.async_copy(dst.at[pl.ds(base, _W)], ID[s5], sem_i)

    def wait_idx(s4, s5):
        pltpu.make_async_copy(src.at[pl.ds(0, _W)], IS[s4], sem_i).wait()
        pltpu.make_async_copy(dst.at[pl.ds(0, _W)], ID[s5], sem_i).wait()

    def issue_gather(s4):
        pltpu.async_copy(table.at[IS[s4]], RW[s4], sem_g)

    def wait_gather(s4):
        pltpu.make_async_copy(table.at[IS[s4]], RW[s4], sem_g).wait()

    def issue_scatter(s4, s5):
        pltpu.async_copy(RW[s4], accum.at[ID[s5]], sem_s, add=True)

    def wait_scatter(s4, s5):
        pltpu.make_async_copy(RW[s4], accum.at[ID[s5]], sem_s).wait()

    def step(w, s4, s5, sc_wait, guard_idx, do_idx, do_gather):
        wait_gather(s4)
        issue_scatter(s4, s5)
        if sc_wait:
            wait_scatter(s4, s5)
        if do_idx:
            if guard_idx:
                @pl.when(w + 3 < _NWIN)
                def _():
                    issue_idx(w + 3, (s4 + 3) % 4, (s5 + 3) % 5)
            else:
                issue_idx(w + 3, (s4 + 3) % 4, (s5 + 3) % 5)
        if do_gather:
            wait_idx((s4 + 2) % 4, (s5 + 2) % 5)
            issue_gather((s4 + 2) % 4)

    issue_idx(0, 0, 0)
    issue_idx(1, 1, 1)
    issue_idx(2, 2, 2)
    wait_idx(0, 0)
    issue_gather(0)
    wait_idx(1, 1)
    issue_gather(1)
    step(0, 0, 0, False, False, True, True)
    step(1, 1, 1, False, False, True, True)
    step(2, 2, 2, True, False, True, True)

    def iter20(i, carry):
        w = 3 + 20 * i
        for k in range(20):
            step(w + k, (3 + k) % 4, (3 + k) % 5, True, k == 19, True, True)
        return carry
    lax.fori_loop(0, (_NWIN - 5) // 20, iter20, 0)

    step(123, 3, 3, True, False, False, False)
    step(124, 0, 4, True, False, False, False)
    wait_scatter(3, 3)
    wait_scatter(0, 4)

    plsc.subcore_barrier()
    for k in range(_RPT // _W):
        r0 = row0 + k * _W
        pltpu.sync_copy(accum.at[pl.ds(r0, _W)], out.at[c, pl.ds(r0, _W)])


@jax.jit
def _sc_phase(table, src, dst):
    return pl.kernel(
        _phase_body,
        out_type=jax.ShapeDtypeStruct((_NC, _NP, _F), jnp.float32),
        mesh=_sc_mesh(),
        scratch_types=(
            [pltpu.VMEM((_W,), jnp.int32)] * 4
            + [pltpu.VMEM((_W,), jnp.int32)] * 5
            + [pltpu.VMEM((_W, _F), jnp.float32)] * 4
            + [pltpu.VMEM_SHARED((_NP, _F), jnp.float32),
               pltpu.SemaphoreType.DMA, pltpu.SemaphoreType.DMA,
               pltpu.SemaphoreType.DMA]
        ),
    )(table, src, dst)



def _count_body(src, dst, out, zbuf, onesb, idxs0, idxd0, idxs1, idxd1,
                idxs2, idxd2, dacc, bacc, sem_i, sem_s):
    c = lax.axis_index("c")
    s = lax.axis_index("s")
    tile = c * _NS + s
    ebase = tile * _EPT
    row0 = s * _CPT

    zeros16 = jnp.zeros((16,), jnp.float32)
    ones16 = jnp.ones((16,), jnp.float32)
    for j in range(_CPT // 16):
        zbuf[pl.ds(j * 16, 16)] = zeros16
    for j in range(_W // 16):
        onesb[pl.ds(j * 16, 16)] = ones16
    pltpu.sync_copy(zbuf, dacc.at[pl.ds(row0, _CPT)])
    pltpu.sync_copy(zbuf, bacc.at[pl.ds(row0, _CPT)])
    plsc.subcore_barrier()

    bufs = ((idxs0, idxd0), (idxs1, idxd1), (idxs2, idxd2))

    def issue_idx(w, r):
        base = ebase + w * _W
        pltpu.async_copy(src.at[pl.ds(base, _W)], bufs[r][0], sem_i)
        pltpu.async_copy(dst.at[pl.ds(base, _W)], bufs[r][1], sem_i)

    def wait_idx(r):
        pltpu.make_async_copy(src.at[pl.ds(0, _W)], bufs[r][0], sem_i).wait()
        pltpu.make_async_copy(dst.at[pl.ds(0, _W)], bufs[r][1], sem_i).wait()

    def issue_sc(r):
        pltpu.async_copy(onesb, dacc.at[bufs[r][0]], sem_s, add=True)
        pltpu.async_copy(onesb, bacc.at[bufs[r][1]], sem_s, add=True)

    def wait_sc(r):
        pltpu.make_async_copy(onesb, dacc.at[bufs[r][0]], sem_s).wait()
        pltpu.make_async_copy(onesb, bacc.at[bufs[r][1]], sem_s).wait()

    def step(w, r, first, guard_idx):
        rp = (r + 2) % 3
        rn = (r + 1) % 3
        wait_idx(r)
        if not first:
            wait_sc(rp)
        issue_sc(r)
        if guard_idx:
            @pl.when(w + 2 < _NWIN)
            def _():
                issue_idx(w + 2, rp)
        else:
            issue_idx(w + 2, rp)
        _ = rn

    issue_idx(0, 0)
    issue_idx(1, 1)
    step(0, 0, True, False)

    def iter3(i, carry):
        w = 1 + 3 * i
        step(w, 1, False, False)
        step(w + 1, 2, False, False)
        step(w + 2, 0, False, True)
        return carry
    lax.fori_loop(0, (_NWIN - 2) // 3, iter3, 0)

    wait_idx(1)
    wait_sc(0)
    issue_sc(1)
    wait_sc(1)

    plsc.subcore_barrier()
    pltpu.sync_copy(dacc.at[pl.ds(row0, _CPT)], out.at[c, 0, pl.ds(row0, _CPT)])
    pltpu.sync_copy(bacc.at[pl.ds(row0, _CPT)], out.at[c, 1, pl.ds(row0, _CPT)])


@jax.jit
def _sc_count(src, dst):
    return pl.kernel(
        _count_body,
        out_type=jax.ShapeDtypeStruct((_NC, 2, _CPAD), jnp.float32),
        mesh=_sc_mesh(),
        scratch_types=(
            [pltpu.VMEM((_CPT,), jnp.float32),
             pltpu.VMEM((_W,), jnp.float32)]
            + [pltpu.VMEM((_W,), jnp.int32)] * 6
            + [pltpu.VMEM_SHARED((_CPAD,), jnp.float32),
               pltpu.VMEM_SHARED((_CPAD,), jnp.float32),
               pltpu.SemaphoreType.DMA, pltpu.SemaphoreType.DMA]
        ),
    )(src, dst)



_BLK = 1000
_NBLK = _N // _BLK


def _mm_plain_body(x_ref, w_ref, o_ref):
    o_ref[...] = jnp.dot(x_ref[...], w_ref[...],
                         preferred_element_type=jnp.float32)


@jax.jit
def _tc_mm_plain(x, w):
    return pl.pallas_call(
        _mm_plain_body,
        grid=(_NBLK,),
        in_specs=[
            pl.BlockSpec((_BLK, 128), lambda i: (i, 0)),
            pl.BlockSpec((128, 128), lambda i: (0, 0)),
        ],
        out_specs=pl.BlockSpec((_BLK, 128), lambda i: (i, 0)),
        out_shape=jax.ShapeDtypeStruct((_N, 128), jnp.float32),
    )(x, w)


def _combine_body(p_ref, s_ref, o_ref):
    acc = p_ref[0] + p_ref[1]
    o_ref[...] = s_ref[...] * acc


@jax.jit
def _tc_combine(p, scale):
    return pl.pallas_call(
        _combine_body,
        grid=(_NBLK,),
        in_specs=[
            pl.BlockSpec((_NC, _BLK, _F), lambda i: (0, i, 0)),
            pl.BlockSpec((_BLK, 1), lambda i: (i, 0)),
        ],
        out_specs=pl.BlockSpec((_BLK, _F), lambda i: (i, 0)),
        out_shape=jax.ShapeDtypeStruct((_N, _F), jnp.float32),
    )(p, scale)


def _mm_fused1_body(p_ref, s_ref, b_ref, w_ref, o1_ref, o2_ref):
    h = s_ref[...] * (p_ref[0] + p_ref[1]) + b_ref[...][None, :]
    h = jnp.maximum(h, 0.0)
    o = jnp.dot(h, w_ref[...], preferred_element_type=jnp.float32)
    o1_ref[...] = o[:, :128]
    o2_ref[...] = o[:, 128:]


@jax.jit
def _tc_mm_fused1(p, scale, b, w):
    return pl.pallas_call(
        _mm_fused1_body,
        grid=(_NBLK,),
        in_specs=[
            pl.BlockSpec((_NC, _BLK, _F), lambda i: (0, i, 0)),
            pl.BlockSpec((_BLK, 1), lambda i: (i, 0)),
            pl.BlockSpec((128,), lambda i: (0,)),
            pl.BlockSpec((128, 256), lambda i: (0, 0)),
        ],
        out_specs=[
            pl.BlockSpec((_BLK, 128), lambda i: (i, 0)),
            pl.BlockSpec((_BLK, 128), lambda i: (i, 0)),
        ],
        out_shape=[
            jax.ShapeDtypeStruct((_N, 128), jnp.float32),
            jax.ShapeDtypeStruct((_N, 128), jnp.float32),
        ],
    )(p, scale, b, w)


def _mm_fused2_body(pa_ref, pb_ref, s_ref, ba_ref, bb_ref, wa_ref, wb_ref,
                    o_ref):
    sc = s_ref[...]
    ha = jnp.maximum(sc * (pa_ref[0] + pa_ref[1]) + ba_ref[...][None, :], 0.0)
    hb = jnp.maximum(sc * (pb_ref[0] + pb_ref[1]) + bb_ref[...][None, :], 0.0)
    o_ref[...] = (jnp.dot(ha, wa_ref[...], preferred_element_type=jnp.float32)
                  + jnp.dot(hb, wb_ref[...], preferred_element_type=jnp.float32))


@jax.jit
def _tc_mm_fused2(pa, pb, scale, b_lo, b_hi, w_lo, w_hi):
    return pl.pallas_call(
        _mm_fused2_body,
        grid=(_NBLK,),
        in_specs=[
            pl.BlockSpec((_NC, _BLK, _F), lambda i: (0, i, 0)),
            pl.BlockSpec((_NC, _BLK, _F), lambda i: (0, i, 0)),
            pl.BlockSpec((_BLK, 1), lambda i: (i, 0)),
            pl.BlockSpec((128,), lambda i: (0,)),
            pl.BlockSpec((128,), lambda i: (0,)),
            pl.BlockSpec((128, 128), lambda i: (0, 0)),
            pl.BlockSpec((128, 128), lambda i: (0, 0)),
        ],
        out_specs=pl.BlockSpec((_BLK, 128), lambda i: (i, 0)),
        out_shape=jax.ShapeDtypeStruct((_N, 128), jnp.float32),
    )(pa, pb, scale, b_lo, b_hi, w_lo, w_hi)


_FBLK = 1000
_NFBLK = _N // _FBLK


def _final_body(p_ref, s_ref, b_ref, bat_ref, lw1_ref, lb1_ref, lw2_ref,
                lb2_ref, o_ref, hacc, cacc):
    i = pl.program_id(0)

    @pl.when(i == 0)
    def _():
        hacc[...] = jnp.zeros_like(hacc)
        cacc[...] = jnp.zeros_like(cacc)

    h = s_ref[...] * (p_ref[0] + p_ref[1]) + b_ref[...][None, :]
    h = jnp.maximum(h, 0.0)
    seg = (lax.broadcasted_iota(jnp.int32, (_G, _FBLK), 0)
           == bat_ref[...].reshape(1, _FBLK)).astype(jnp.float32)
    hacc[...] += jnp.dot(seg, h, preferred_element_type=jnp.float32)
    cnt = jnp.sum(seg, axis=1)
    cacc[...] += jnp.broadcast_to(cnt[:, None], (_G, 128))

    @pl.when(i == _NFBLK - 1)
    def _():
        pooled = hacc[...] / jnp.maximum(cacc[...], 1.0)
        z = jnp.maximum(
            jnp.dot(pooled, lw1_ref[...], preferred_element_type=jnp.float32)
            + lb1_ref[...][None, :], 0.0)
        res = jnp.dot(z, lw2_ref[...], preferred_element_type=jnp.float32)
        o_ref[...] = jnp.broadcast_to(res + lb2_ref[...][None, :], (_G, 128))


@jax.jit
def _tc_final(p, scale, b, batch, lw1, lb1, lw2, lb2):
    return pl.pallas_call(
        _final_body,
        grid=(_NFBLK,),
        in_specs=[
            pl.BlockSpec((_NC, _FBLK, _F), lambda i: (0, i, 0)),
            pl.BlockSpec((_FBLK, 1), lambda i: (i, 0)),
            pl.BlockSpec((128,), lambda i: (0,)),
            pl.BlockSpec((_FBLK, 1), lambda i: (i, 0)),
            pl.BlockSpec((128, 64), lambda i: (0, 0)),
            pl.BlockSpec((64,), lambda i: (0,)),
            pl.BlockSpec((64, 1), lambda i: (0, 0)),
            pl.BlockSpec((1,), lambda i: (0,)),
        ],
        out_specs=pl.BlockSpec((_G, 128), lambda i: (0, 0)),
        out_shape=jax.ShapeDtypeStruct((_G, 128), jnp.float32),
        scratch_shapes=[
            pltpu.VMEM((_G, 128), jnp.float32),
            pltpu.VMEM((_G, 128), jnp.float32),
        ],
    )(p, scale, b, batch, lw1, lb1, lw2, lb2)



def kernel(x, hyperedge_index, batch, W1, b1, W2, b2, W3, b3,
           lw1, lb1, lw2, lb2):
    ei0 = hyperedge_index[0]
    ei1 = hyperedge_index[1]

    cnt = _sc_count(ei0, ei1)
    csum = cnt[0] + cnt[1]
    d = csum[0, :_N]
    bb = csum[1, :_HE]
    dinv = jnp.where(d > 0, 1.0 / d, 0.0).reshape(_N, 1)
    binv = jnp.where(bb > 0, 1.0 / bb, 0.0).reshape(_HE, 1)

    xl1 = _tc_mm_plain(x, W1)
    oe1 = _tc_combine(_sc_phase(xl1, ei0, ei1), binv)
    pb1 = _sc_phase(oe1, ei1, ei0)

    xl2a, xl2b = _tc_mm_fused1(pb1, dinv, b1, W2)
    oe2a = _tc_combine(_sc_phase(xl2a, ei0, ei1), binv)
    oe2b = _tc_combine(_sc_phase(xl2b, ei0, ei1), binv)
    pb2a = _sc_phase(oe2a, ei1, ei0)
    pb2b = _sc_phase(oe2b, ei1, ei0)

    xl3 = _tc_mm_fused2(pb2a, pb2b, dinv, b2[:128], b2[128:],
                        W3[:128], W3[128:])
    oe3 = _tc_combine(_sc_phase(xl3, ei0, ei1), binv)
    pb3 = _sc_phase(oe3, ei1, ei0)

    out = _tc_final(pb3, dinv, b3, batch.reshape(_N, 1), lw1, lb1, lw2, lb2)
    return out[:, :1]

# --- scband reference (transcript-rebuilt; emitter-appended) ---
"""Pipeline reference for scband-hyper-graph-net-25718264168627 (READ-ONLY COPY).

The authoritative reference and input builder live on the scoring server;
editing this copy changes nothing except your own understanding.
"""

import jax, jax.numpy as jnp
import numpy as np

N = 10000        # num nodes
E = 320000       # num incidence entries (node, hyperedge) pairs
HE = 10000       # num hyperedges
F_IN = 128       # num_node_features
HID = 128        # hidden_channels
G = 64           # num graphs in batch


def setup_inputs(seed: int = 0) -> dict:
    key = jax.random.key(seed)
    ks = jax.random.split(key, 16)
    x = jax.random.normal(ks[0], (N, F_IN), dtype=jnp.float32)
    hyperedge_index = jnp.stack([
        jax.random.randint(ks[1], (E,), 0, N, dtype=jnp.int32),
        jax.random.randint(ks[2], (E,), 0, HE, dtype=jnp.int32),
    ], axis=0)
    batch = jnp.sort(jax.random.randint(ks[3], (N,), 0, G, dtype=jnp.int32))
    def glorot(k, fi, fo):
        s = np.sqrt(6.0 / (fi + fo))
        return jax.random.uniform(k, (fi, fo), dtype=jnp.float32, minval=-s, maxval=s)
    W1 = glorot(ks[4], F_IN, HID)
    b1 = jnp.zeros((HID,), dtype=jnp.float32)
    W2 = glorot(ks[5], HID, HID * 2)
    b2 = jnp.zeros((HID * 2,), dtype=jnp.float32)
    W3 = glorot(ks[6], HID * 2, HID)
    b3 = jnp.zeros((HID,), dtype=jnp.float32)
    lw1 = glorot(ks[7], HID, HID // 2)
    lb1 = jnp.zeros((HID // 2,), dtype=jnp.float32)
    lw2 = glorot(ks[8], HID // 2, 1)
    lb2 = jnp.zeros((1,), dtype=jnp.float32)
    return {"x": x, "hyperedge_index": hyperedge_index, "batch": batch,
            "W1": W1, "b1": b1, "W2": W2, "b2": b2, "W3": W3, "b3": b3,
            "lw1": lw1, "lb1": lb1, "lw2": lw2, "lb2": lb2}


def _hypergraph_conv(x, W, b, ei):
    # PyG HypergraphConv (no attention, hyperedge_weight = ones):
    # out = D^{-1} H W_e B^{-1} H^T (X Theta) + bias
    xl = x @ W
    ones = jnp.ones((ei.shape[1],), dtype=x.dtype)
    D = jax.ops.segment_sum(ones, ei[0], num_segments=N)
    Dinv = jnp.where(D > 0, 1.0 / D, 0.0)
    B = jax.ops.segment_sum(ones, ei[1], num_segments=HE)
    Binv = jnp.where(B > 0, 1.0 / B, 0.0)
    # propagate 1: node -> hyperedge, norm = B^{-1} at destination hyperedge
    m1 = Binv[ei[1]][:, None] * jnp.take(xl, ei[0], axis=0)
    out_e = jax.ops.segment_sum(m1, ei[1], num_segments=HE)
    # propagate 2: hyperedge -> node, norm = D^{-1} at destination node
    m2 = Dinv[ei[0]][:, None] * jnp.take(out_e, ei[1], axis=0)
    out_v = jax.ops.segment_sum(m2, ei[0], num_segments=N)
    return out_v + b


def reference(x, hyperedge_index, batch, W1, b1, W2, b2, W3, b3, lw1, lb1, lw2, lb2):
    h = jax.nn.relu(_hypergraph_conv(x, W1, b1, hyperedge_index))
    h = jax.nn.relu(_hypergraph_conv(h, W2, b2, hyperedge_index))
    h = jax.nn.relu(_hypergraph_conv(h, W3, b3, hyperedge_index))
    # global_mean_pool over batch ids
    counts = jax.ops.segment_sum(jnp.ones((N,), dtype=h.dtype), batch, num_segments=G)
    sums = jax.ops.segment_sum(h, batch, num_segments=G)
    pooled = sums / jnp.clip(counts, 1.0)[:, None]
    z = jax.nn.relu(pooled @ lw1 + lb1)
    out = z @ lw2 + lb2
    return out

if __name__ == "__main__":
    import jax
    _d = setup_inputs()
    print(jax.jit(kernel)(*tuple(_d.values())))

</pallas_src>

<mosaic_0001>
#map = affine_map<(d0, d1) -> (0)>
#map1 = affine_map<(d0, d1) -> (0, 0, 0)>
module attributes {stable_mosaic.version = 14 : i64} {
  func.func @_count_body(%arg0: i32, %arg1: i32, %arg2: memref<320000xi32, #tpu.memory_space<hbm>>, %arg3: memref<320000xi32, #tpu.memory_space<hbm>>, %arg4: memref<2x2x10240xf32, #tpu.memory_space<hbm>>, %arg5: memref<640xf32, #tpu.memory_space<vmem>>, %arg6: memref<80xf32, #tpu.memory_space<vmem>>, %arg7: memref<80xi32, #tpu.memory_space<vmem>>, %arg8: memref<80xi32, #tpu.memory_space<vmem>>, %arg9: memref<80xi32, #tpu.memory_space<vmem>>, %arg10: memref<80xi32, #tpu.memory_space<vmem>>, %arg11: memref<80xi32, #tpu.memory_space<vmem>>, %arg12: memref<80xi32, #tpu.memory_space<vmem>>, %arg13: memref<10240xf32, #tpu.memory_space<vmem_shared>>, %arg14: memref<10240xf32, #tpu.memory_space<vmem_shared>>, %arg15: memref<!tpu.dma_semaphore, #tpu.memory_space<semaphore_mem>>, %arg16: memref<!tpu.dma_semaphore, #tpu.memory_space<semaphore_mem>>) attributes {dimension_semantics = [#tpu.dimension_semantics<core_parallel>, #tpu.dimension_semantics<subcore_parallel>], iteration_bounds = array<i64: 2, 16>, scalar_prefetch = 0 : i64, scratch_operands = 12 : i64, tpu.core_type = #tpu.core_type<sc_vector_subcore>, window_params = [{transform_indices = #map}, {transform_indices = #map}, {transform_indices = #map1}]} {
    %mul3A = arith.constant 16 : i32
    %mul3A_0 = arith.muli %arg0, %mul3A : i32
    %add3A = arith.addi %mul3A_0, %arg1 : i32
    %mul3A_1 = arith.constant 10000 : i32
    %mul3A_2 = arith.muli %add3A, %mul3A_1 : i32
    %mul3A_3 = arith.constant 640 : i32
    %mul3A_4 = arith.muli %arg1, %mul3A_3 : i32
    %broadcast_in_dim3A = arith.constant 0.000000e+00 : f32
    %broadcast_in_dim3A_5 = vector.broadcast %broadcast_in_dim3A : f32 to vector<16xf32>
    %broadcast_in_dim3A_6 = arith.constant 1.000000e+00 : f32
    %broadcast_in_dim3A_7 = vector.broadcast %broadcast_in_dim3A_6 : f32 to vector<16xf32>
    %swap3A = arith.constant 0 : index
    %swap3A_8 = tpu.vector_load %arg5[%swap3A] {strides = array<i32>} : memref<640xf32, #tpu.memory_space<vmem>>, vector<16xf32>,
    %swap3A_9 = vector.shape_cast %swap3A_8 : vector<16xf32> to vector<16xf32>
    %swap3A_10 = vector.shape_cast %broadcast_in_dim3A_5 : vector<16xf32> to vector<16xf32>
    tpu.vector_store %arg5[%swap3A], %swap3A_10 {strides = array<i32>} : memref<640xf32, #tpu.memory_space<vmem>>, vector<16xf32>,
    %swap3A_11 = arith.constant 16 : index
    %swap3A_12 = tpu.vector_load %arg5[%swap3A_11] {strides = array<i32>} : memref<640xf32, #tpu.memory_space<vmem>>, vector<16xf32>,
    %swap3A_13 = vector.shape_cast %swap3A_12 : vector<16xf32> to vector<16xf32>
    %swap3A_14 = vector.shape_cast %broadcast_in_dim3A_5 : vector<16xf32> to vector<16xf32>
    tpu.vector_store %arg5[%swap3A_11], %swap3A_14 {strides = array<i32>} : memref<640xf32, #tpu.memory_space<vmem>>, vector<16xf32>,
    %swap3A_15 = arith.constant 32 : index
    %swap3A_16 = tpu.vector_load %arg5[%swap3A_15] {strides = array<i32>} : memref<640xf32, #tpu.memory_space<vmem>>, vector<16xf32>,
    %swap3A_17 = vector.shape_cast %swap3A_16 : vector<16xf32> to vector<16xf32>
    %swap3A_18 = vector.shape_cast %broadcast_in_dim3A_5 : vector<16xf32> to vector<16xf32>
    tpu.vector_store %arg5[%swap3A_15], %swap3A_18 {strides = array<i32>} : memref<640xf32, #tpu.memory_space<vmem>>, vector<16xf32>,
    %swap3A_19 = arith.constant 48 : index
    %swap3A_20 = tpu.vector_load %arg5[%swap3A_19] {strides = array<i32>} : memref<640xf32, #tpu.memory_space<vmem>>, vector<16xf32>,
    %swap3A_21 = vector.shape_cast %swap3A_20 : vector<16xf32> to vector<16xf32>
    %swap3A_22 = vector.shape_cast %broadcast_in_dim3A_5 : vector<16xf32> to vector<16xf32>
    tpu.vector_store %arg5[%swap3A_19], %swap3A_22 {strides = array<i32>} : memref<640xf32, #tpu.memory_space<vmem>>, vector<16xf32>,
    %swap3A_23 = arith.constant 64 : index
    %swap3A_24 = tpu.vector_load %arg5[%swap3A_23] {strides = array<i32>} : memref<640xf32, #tpu.memory_space<vmem>>, vector<16xf32>,
    %swap3A_25 = vector.shape_cast %swap3A_24 : vector<16xf32> to vector<16xf32>
    %swap3A_26 = vector.shape_cast %broadcast_in_dim3A_5 : vector<16xf32> to vector<16xf32>
    tpu.vector_store %arg5[%swap3A_23], %swap3A_26 {strides = array<i32>} : memref<640xf32, #tpu.memory_space<vmem>>, vector<16xf32>,
    %swap3A_27 = arith.constant 80 : index
    %swap3A_28 = tpu.vector_load %arg5[%swap3A_27] {strides = array<i32>} : memref<640xf32, #tpu.memory_space<vmem>>, vector<16xf32>,
    %swap3A_29 = vector.shape_cast %swap3A_28 : vector<16xf32> to vector<16xf32>
    %swap3A_30 = vector.shape_cast %broadcast_in_dim3A_5 : vector<16xf32> to vector<16xf32>
    tpu.vector_store %arg5[%swap3A_27], %swap3A_30 {strides = array<i32>} : memref<640xf32, #tpu.memory_space<vmem>>, vector<16xf32>,
    %swap3A_31 = arith.constant 96 : index
    %swap3A_32 = tpu.vector_load %arg5[%swap3A_31] {strides = array<i32>} : memref<640xf32, #tpu.memory_space<vmem>>, vector<16xf32>,
    %swap3A_33 = vector.shape_cast %swap3A_32 : vector<16xf32> to vector<16xf32>
    %swap3A_34 = vector.shape_cast %broadcast_in_dim3A_5 : vector<16xf32> to vector<16xf32>
    tpu.vector_store %arg5[%swap3A_31], %swap3A_34 {strides = array<i32>} : memref<640xf32, #tpu.memory_space<vmem>>, vector<16xf32>,
    %swap3A_35 = arith.constant 112 : index
    %swap3A_36 = tpu.vector_load %arg5[%swap3A_35] {strides = array<i32>} : memref<640xf32, #tpu.memory_space<vmem>>, vector<16xf32>,
    %swap3A_37 = vector.shape_cast %swap3A_36 : vector<16xf32> to vector<16xf32>
    %swap3A_38 = vector.shape_cast %broadcast_in_dim3A_5 : vector<16xf32> to vector<16xf32>
    tpu.vector_store %arg5[%swap3A_35], %swap3A_38 {strides = array<i32>} : memref<640xf32, #tpu.memory_space<vmem>>, vector<16xf32>,
    %swap3A_39 = arith.constant 128 : index
    %swap3A_40 = tpu.vector_load %arg5[%swap3A_39] {strides = array<i32>} : memref<640xf32, #tpu.memory_space<vmem>>, vector<16xf32>,
    %swap3A_41 = vector.shape_cast %swap3A_40 : vector<16xf32> to vector<16xf32>
    %swap3A_42 = vector.shape_cast %broadcast_in_dim3A_5 : vector<16xf32> to vector<16xf32>
    tpu.vector_store %arg5[%swap3A_39], %swap3A_42 {strides = array<i32>} : memref<640xf32, #tpu.memory_space<vmem>>, vector<16xf32>,
    %swap3A_43 = arith.constant 144 : index
    %swap3A_44 = tpu.vector_load %arg5[%swap3A_43] {strides = array<i32>} : memref<640xf32, #tpu.memory_space<vmem>>, vector<16xf32>,
    %swap3A_45 = vector.shape_cast %swap3A_44 : vector<16xf32> to vector<16xf32>
    %swap3A_46 = vector.shape_cast %broadcast_in_dim3A_5 : vector<16xf32> to vector<16xf32>
    tpu.vector_store %arg5[%swap3A_43], %swap3A_46 {strides = array<i32>} : memref<640xf32, #tpu.memory_space<vmem>>, vector<16xf32>,
    %swap3A_47 = arith.constant 160 : index
    %swap3A_48 = tpu.vector_load %arg5[%swap3A_47] {strides = array<i32>} : memref<640xf32, #tpu.memory_space<vmem>>, vector<16xf32>,
    %swap3A_49 = vector.shape_cast %swap3A_48 : vector<16xf32> to vector<16xf32>
    %swap3A_50 = vector.shape_cast %broadcast_in_dim3A_5 : vector<16xf32> to vector<16xf32>
    tpu.vector_store %arg5[%swap3A_47], %swap3A_50 {strides = array<i32>} : memref<640xf32, #tpu.memory_space<vmem>>, vector<16xf32>,
    %swap3A_51 = arith.constant 176 : index
    %swap3A_52 = tpu.vector_load %arg5[%swap3A_51] {strides = array<i32>} : memref<640xf32, #tpu.memory_space<vmem>>, vector<16xf32>,
    %swap3A_53 = vector.shape_cast %swap3A_52 : vector<16xf32> to vector<16xf32>
    %swap3A_54 = vector.shape_cast %broadcast_in_dim3A_5 : vector<16xf32> to vector<16xf32>
    tpu.vector_store %arg5[%swap3A_51], %swap3A_54 {strides = array<i32>} : memref<640xf32, #tpu.memory_space<vmem>>, vector<16xf32>,
    %swap3A_55 = arith.constant 192 : index
    %swap3A_56 = tpu.vector_load %arg5[%swap3A_55] {strides = array<i32>} : memref<640xf32, #tpu.memory_space<vmem>>, vector<16xf32>,
    %swap3A_57 = vector.shape_cast %swap3A_56 : vector<16xf32> to vector<16xf32>
    %swap3A_58 = vector.shape_cast %broadcast_in_dim3A_5 : vector<16xf32> to vector<16xf32>
    tpu.vector_store %arg5[%swap3A_55], %swap3A_58 {strides = array<i32>} : memref<640xf32, #tpu.memory_space<vmem>>, vector<16xf32>,
    %swap3A_59 = arith.constant 208 : index
    %swap3A_60 = tpu.vector_load %arg5[%swap3A_59] {strides = array<i32>} : memref<640xf32, #tpu.memory_space<vmem>>, vector<16xf32>,
    %swap3A_61 = vector.shape_cast %swap3A_60 : vector<16xf32> to vector<16xf32>
    %swap3A_62 = vector.shape_cast %broadcast_in_dim3A_5 : vector<16xf32> to vector<16xf32>
    tpu.vector_store %arg5[%swap3A_59], %swap3A_62 {strides = array<i32>} : memref<640xf32, #tpu.memory_space<vmem>>, vector<16xf32>,
    %swap3A_63 = arith.constant 224 : index
    %swap3A_64 = tpu.vector_load %arg5[%swap3A_63] {strides = array<i32>} : memref<640xf32, #tpu.memory_space<vmem>>, vector<16xf32>,
    %swap3A_65 = vector.shape_cast %swap3A_64 : vector<16xf32> to vector<16xf32>
    %swap3A_66 = vector.shape_cast %broadcast_in_dim3A_5 : vector<16xf32> to vector<16xf32>
    tpu.vector_store %arg5[%swap3A_63], %swap3A_66 {strides = array<i32>} : memref<640xf32, #tpu.memory_space<vmem>>, vector<16xf32>,
    %swap3A_67 = arith.constant 240 : index
    %swap3A_68 = tpu.vector_load %arg5[%swap3A_67] {strides = array<i32>} : memref<640xf32, #tpu.memory_space<vmem>>, vector<16xf32>,
    %swap3A_69 = vector.shape_cast %swap3A_68 : vector<16xf32> to vector<16xf32>
    %swap3A_70 = vector.shape_cast %broadcast_in_dim3A_5 : vector<16xf32> to vector<16xf32>
    tpu.vector_store %arg5[%swap3A_67], %swap3A_70 {strides = array<i32>} : memref<640xf32, #tpu.memory_space<vmem>>, vector<16xf32>,
    %swap3A_71 = arith.constant 256 : index
    %swap3A_72 = tpu.vector_load %arg5[%swap3A_71] {strides = array<i32>} : memref<640xf32, #tpu.memory_space<vmem>>, vector<16xf32>,
    %swap3A_73 = vector.shape_cast %swap3A_72 : vector<16xf32> to vector<16xf32>
    %swap3A_74 = vector.shape_cast %broadcast_in_dim3A_5 : vector<16xf32> to vector<16xf32>
    tpu.vector_store %arg5[%swap3A_71], %swap3A_74 {strides = array<i32>} : memref<640xf32, #tpu.memory_space<vmem>>, vector<16xf32>,
    %swap3A_75 = arith.constant 272 : index
    %swap3A_76 = tpu.vector_load %arg5[%swap3A_75] {strides = array<i32>} : memref<640xf32, #tpu.memory_space<vmem>>, vector<16xf32>,
    %swap3A_77 = vector.shape_cast %swap3A_76 : vector<16xf32> to vector<16xf32>
    %swap3A_78 = vector.shape_cast %broadcast_in_dim3A_5 : vector<16xf32> to vector<16xf32>
    tpu.vector_store %arg5[%swap3A_75], %swap3A_78 {strides = array<i32>} : memref<640xf32, #tpu.memory_space<vmem>>, vector<16xf32>,
    %swap3A_79 = arith.constant 288 : index
    %swap3A_80 = tpu.vector_load %arg5[%swap3A_79] {strides = array<i32>} : memref<640xf32, #tpu.memory_space<vmem>>, vector<16xf32>,
    %swap3A_81 = vector.shape_cast %swap3A_80 : vector<16xf32> to vector<16xf32>
    %swap3A_82 = vector.shape_cast %broadcast_in_dim3A_5 : vector<16xf32> to vector<16xf32>
    tpu.vector_store %arg5[%swap3A_79], %swap3A_82 {strides = array<i32>} : memref<640xf32, #tpu.memory_space<vmem>>, vector<16xf32>,
    %swap3A_83 = arith.constant 304 : index
    %swap3A_84 = tpu.vector_load %arg5[%swap3A_83] {strides = array<i32>} : memref<640xf32, #tpu.memory_space<vmem>>, vector<16xf32>,
    %swap3A_85 = vector.shape_cast %swap3A_84 : vector<16xf32> to vector<16xf32>
    %swap3A_86 = vector.shape_cast %broadcast_in_dim3A_5 : vector<16xf32> to vector<16xf32>
    tpu.vector_store %arg5[%swap3A_83], %swap3A_86 {strides = array<i32>} : memref<640xf32, #tpu.memory_space<vmem>>, vector<16xf32>,
    %swap3A_87 = arith.constant 320 : index
    %swap3A_88 = tpu.vector_load %arg5[%swap3A_87] {strides = array<i32>} : memref<640xf32, #tpu.memory_space<vmem>>, vector<16xf32>,
    %swap3A_89 = vector.shape_cast %swap3A_88 : vector<16xf32> to vector<16xf32>
    %swap3A_90 = vector.shape_cast %broadcast_in_dim3A_5 : vector<16xf32> to vector<16xf32>
    tpu.vector_store %arg5[%swap3A_87], %swap3A_90 {strides = array<i32>} : memref<640xf32, #tpu.memory_space<vmem>>, vector<16xf32>,
    %swap3A_91 = arith.constant 336 : index
    %swap3A_92 = tpu.vector_load %arg5[%swap3A_91] {strides = array<i32>} : memref<640xf32, #tpu.memory_space<vmem>>, vector<16xf32>,
    %swap3A_93 = vector.shape_cast %swap3A_92 : vector<16xf32> to vector<16xf32>
    %swap3A_94 = vector.shape_cast %broadcast_in_dim3A_5 : vector<16xf32> to vector<16xf32>
    tpu.vector_store %arg5[%swap3A_91], %swap3A_94 {strides = array<i32>} : memref<640xf32, #tpu.memory_space<vmem>>, vector<16xf32>,
    %swap3A_95 = arith.constant 352 : index
    %swap3A_96 = tpu.vector_load %arg5[%swap3A_95] {strides = array<i32>} : memref<640xf32, #tpu.memory_space<vmem>>, vector<16xf32>,
    %swap3A_97 = vector.shape_cast %swap3A_96 : vector<16xf32> to vector<16xf32>
    %swap3A_98 = vector.shape_cast %broadcast_in_dim3A_5 : vector<16xf32> to vector<16xf32>
    tpu.vector_store %arg5[%swap3A_95], %swap3A_98 {strides = array<i32>} : memref<640xf32, #tpu.memory_space<vmem>>, vector<16xf32>,
    %swap3A_99 = arith.constant 368 : index
    %swap3A_100 = tpu.vector_load %arg5[%swap3A_99] {strides = array<i32>} : memref<640xf32, #tpu.memory_space<vmem>>, vector<16xf32>,
    %swap3A_101 = vector.shape_cast %swap3A_100 : vector<16xf32> to vector<16xf32>
    %swap3A_102 = vector.shape_cast %broadcast_in_dim3A_5 : vector<16xf32> to vector<16xf32>
    tpu.vector_store %arg5[%swap3A_99], %swap3A_102 {strides = array<i32>} : memref<640xf32, #tpu.memory_space<vmem>>, vector<16xf32>,
    %swap3A_103 = arith.constant 384 : index
    %swap3A_104 = tpu.vector_load %arg5[%swap3A_103] {strides = array<i32>} : memref<640xf32, #tpu.memory_space<vmem>>, vector<16xf32>,
    %swap3A_105 = vector.shape_cast %swap3A_104 : vector<16xf32> to vector<16xf32>
    %swap3A_106 = vector.shape_cast %broadcast_in_dim3A_5 : vector<16xf32> to vector<16xf32>
    tpu.vector_store %arg5[%swap3A_103], %swap3A_106 {strides = array<i32>} : memref<640xf32, #tpu.memory_space<vmem>>, vector<16xf32>,
    %swap3A_107 = arith.constant 400 : index
    %swap3A_108 = tpu.vector_load %arg5[%swap3A_107] {strides = array<i32>} : memref<640xf32, #tpu.memory_space<vmem>>, vector<16xf32>,
    %swap3A_109 = vector.shape_cast %swap3A_108 : vector<16xf32> to vector<16xf32>
    %swap3A_110 = vector.shape_cast %broadcast_in_dim3A_5 : vector<16xf32> to vector<16xf32>
    tpu.vector_store %arg5[%swap3A_107], %swap3A_110 {strides = array<i32>} : memref<640xf32, #tpu.memory_space<vmem>>, vector<16xf32>,
    %swap3A_111 = arith.constant 416 : index
    %swap3A_112 = tpu.vector_load %arg5[%swap3A_111] {strides = array<i32>} : memref<640xf32, #tpu.memory_space<vmem>>, vector<16xf32>,
    %swap3A_113 = vector.shape_cast %swap3A_112 : vector<16xf32> to vector<16xf32>
    %swap3A_114 = vector.shape_cast %broadcast_in_dim3A_5 : vector<16xf32> to vector<16xf32>
    tpu.vector_store %arg5[%swap3A_111], %swap3A_114 {strides = array<i32>} : memref<640xf32, #tpu.memory_space<vmem>>, vector<16xf32>,
    %swap3A_115 = arith.constant 432 : index
    %swap3A_116 = tpu.vector_load %arg5[%swap3A_115] {strides = array<i32>} : memref<640xf32, #tpu.memory_space<vmem>>, vector<16xf32>,
    %swap3A_117 = vector.shape_cast %swap3A_116 : vector<16xf32> to vector<16xf32>
    %swap3A_118 = vector.shape_cast %broadcast_in_dim3A_5 : vector<16xf32> to vector<16xf32>
    tpu.vector_store %arg5[%swap3A_115], %swap3A_118 {strides = array<i32>} : memref<640xf32, #tpu.memory_space<vmem>>, vector<16xf32>,
    %swap3A_119 = arith.constant 448 : index
    %swap3A_120 = tpu.vector_load %arg5[%swap3A_119] {strides = array<i32>} : memref<640xf32, #tpu.memory_space<vmem>>, vector<16xf32>,
    %swap3A_121 = vector.shape_cast %swap3A_120 : vector<16xf32> to vector<16xf32>
    %swap3A_122 = vector.shape_cast %broadcast_in_dim3A_5 : vector<16xf32> to vector<16xf32>
    tpu.vector_store %arg5[%swap3A_119], %swap3A_122 {strides = array<i32>} : memref<640xf32, #tpu.memory_space<vmem>>, vector<16xf32>,
    %swap3A_123 = arith.constant 464 : index
    %swap3A_124 = tpu.vector_load %arg5[%swap3A_123] {strides = array<i32>} : memref<640xf32, #tpu.memory_space<vmem>>, vector<16xf32>,
    %swap3A_125 = vector.shape_cast %swap3A_124 : vector<16xf32> to vector<16xf32>
    %swap3A_126 = vector.shape_cast %broadcast_in_dim3A_5 : vector<16xf32> to vector<16xf32>
    tpu.vector_store %arg5[%swap3A_123], %swap3A_126 {strides = array<i32>} : memref<640xf32, #tpu.memory_space<vmem>>, vector<16xf32>,
    %swap3A_127 = arith.constant 480 : index
    %swap3A_128 = tpu.vector_load %arg5[%swap3A_127] {strides = array<i32>} : memref<640xf32, #tpu.memory_space<vmem>>, vector<16xf32>,
    %swap3A_129 = vector.shape_cast %swap3A_128 : vector<16xf32> to vector<16xf32>
    %swap3A_130 = vector.shape_cast %broadcast_in_dim3A_5 : vector<16xf32> to vector<16xf32>
    tpu.vector_store %arg5[%swap3A_127], %swap3A_130 {strides = array<i32>} : memref<640xf32, #tpu.memory_space<vmem>>, vector<16xf32>,
    %swap3A_131 = arith.constant 496 : index
    %swap3A_132 = tpu.vector_load %arg5[%swap3A_131] {strides = array<i32>} : memref<640xf32, #tpu.memory_space<vmem>>, vector<16xf32>,
    %swap3A_133 = vector.shape_cast %swap3A_132 : vector<16xf32> to vector<16xf32>
    %swap3A_134 = vector.shape_cast %broadcast_in_dim3A_5 : vector<16xf32> to vector<16xf32>
    tpu.vector_store %arg5[%swap3A_131], %swap3A_134 {strides = array<i32>} : memref<640xf32, #tpu.memory_space<vmem>>, vector<16xf32>,
    %swap3A_135 = arith.constant 512 : index
    %swap3A_136 = tpu.vector_load %arg5[%swap3A_135] {strides = array<i32>} : memref<640xf32, #tpu.memory_space<vmem>>, vector<16xf32>,
    %swap3A_137 = vector.shape_cast %swap3A_136 : vector<16xf32> to vector<16xf32>
    %swap3A_138 = vector.shape_cast %broadcast_in_dim3A_5 : vector<16xf32> to vector<16xf32>
    tpu.vector_store %arg5[%swap3A_135], %swap3A_138 {strides = array<i32>} : memref<640xf32, #tpu.memory_space<vmem>>, vector<16xf32>,
    %swap3A_139 = arith.constant 528 : index
    %swap3A_140 = tpu.vector_load %arg5[%swap3A_139] {strides = array<i32>} : memref<640xf32, #tpu.memory_space<vmem>>, vector<16xf32>,
    %swap3A_141 = vector.shape_cast %swap3A_140 : vector<16xf32> to vector<16xf32>
    %swap3A_142 = vector.shape_cast %broadcast_in_dim3A_5 : vector<16xf32> to vector<16xf32>
    tpu.vector_store %arg5[%swap3A_139], %swap3A_142 {strides = array<i32>} : memref<640xf32, #tpu.memory_space<vmem>>, vector<16xf32>,
    %swap3A_143 = arith.constant 544 : index
    %swap3A_144 = tpu.vector_load %arg5[%swap3A_143] {strides = array<i32>} : memref<640xf32, #tpu.memory_space<vmem>>, vector<16xf32>,
    %swap3A_145 = vector.shape_cast %swap3A_144 : vector<16xf32> to vector<16xf32>
    %swap3A_146 = vector.shape_cast %broadcast_in_dim3A_5 : vector<16xf32> to vector<16xf32>
    tpu.vector_store %arg5[%swap3A_143], %swap3A_146 {strides = array<i32>} : memref<640xf32, #tpu.memory_space<vmem>>, vector<16xf32>,
    %swap3A_147 = arith.constant 560 : index
    %swap3A_148 = tpu.vector_load %arg5[%swap3A_147] {strides = array<i32>} : memref<640xf32, #tpu.memory_space<vmem>>, vector<16xf32>,
    %swap3A_149 = vector.shape_cast %swap3A_148 : vector<16xf32> to vector<16xf32>
    %swap3A_150 = vector.shape_cast %broadcast_in_dim3A_5 : vector<16xf32> to vector<16xf32>
    tpu.vector_store %arg5[%swap3A_147], %swap3A_150 {strides = array<i32>} : memref<640xf32, #tpu.memory_space<vmem>>, vector<16xf32>,
    %swap3A_151 = arith.constant 576 : index
    %swap3A_152 = tpu.vector_load %arg5[%swap3A_151] {strides = array<i32>} : memref<640xf32, #tpu.memory_space<vmem>>, vector<16xf32>,
    %swap3A_153 = vector.shape_cast %swap3A_152 : vector<16xf32> to vector<16xf32>
    %swap3A_154 = vector.shape_cast %broadcast_in_dim3A_5 : vector<16xf32> to vector<16xf32>
    tpu.vector_store %arg5[%swap3A_151], %swap3A_154 {strides = array<i32>} : memref<640xf32, #tpu.memory_space<vmem>>, vector<16xf32>,
    %swap3A_155 = arith.constant 592 : index
    %swap3A_156 = tpu.vector_load %arg5[%swap3A_155] {strides = array<i32>} : memref<640xf32, #tpu.memory_space<vmem>>, vector<16xf32>,
    %swap3A_157 = vector.shape_cast %swap3A_156 : vector<16xf32> to vector<16xf32>
    %swap3A_158 = vector.shape_cast %broadcast_in_dim3A_5 : vector<16xf32> to vector<16xf32>
    tpu.vector_store %arg5[%swap3A_155], %swap3A_158 {strides = array<i32>} : memref<640xf32, #tpu.memory_space<vmem>>, vector<16xf32>,
    %swap3A_159 = arith.constant 608 : index
    %swap3A_160 = tpu.vector_load %arg5[%swap3A_159] {strides = array<i32>} : memref<640xf32, #tpu.memory_space<vmem>>, vector<16xf32>,
    %swap3A_161 = vector.shape_cast %swap3A_160 : vector<16xf32> to vector<16xf32>
    %swap3A_162 = vector.shape_cast %broadcast_in_dim3A_5 : vector<16xf32> to vector<16xf32>
    tpu.vector_store %arg5[%swap3A_159], %swap3A_162 {strides = array<i32>} : memref<640xf32, #tpu.memory_space<vmem>>, vector<16xf32>,
    %swap3A_163 = arith.constant 624 : index
    %swap3A_164 = tpu.vector_load %arg5[%swap3A_163] {strides = array<i32>} : memref<640xf32, #tpu.memory_space<vmem>>, vector<16xf32>,
    %swap3A_165 = vector.shape_cast %swap3A_164 : vector<16xf32> to vector<16xf32>
    %swap3A_166 = vector.shape_cast %broadcast_in_dim3A_5 : vector<16xf32> to vector<16xf32>
    tpu.vector_store %arg5[%swap3A_163], %swap3A_166 {strides = array<i32>} : memref<640xf32, #tpu.memory_space<vmem>>, vector<16xf32>,
    %swap3A_167 = arith.constant 0 : index
    %swap3A_168 = tpu.vector_load %arg6[%swap3A_167] {strides = array<i32>} : memref<80xf32, #tpu.memory_space<vmem>>, vector<16xf32>,
    %swap3A_169 = vector.shape_cast %swap3A_168 : vector<16xf32> to vector<16xf32>
    %swap3A_170 = vector.shape_cast %broadcast_in_dim3A_7 : vector<16xf32> to vector<16xf32>
    tpu.vector_store %arg6[%swap3A_167], %swap3A_170 {strides = array<i32>} : memref<80xf32, #tpu.memory_space<vmem>>, vector<16xf32>,
    %swap3A_171 = arith.constant 16 : index
    %swap3A_172 = tpu.vector_load %arg6[%swap3A_171] {strides = array<i32>} : memref<80xf32, #tpu.memory_space<vmem>>, vector<16xf32>,
    %swap3A_173 = vector.shape_cast %swap3A_172 : vector<16xf32> to vector<16xf32>
    %swap3A_174 = vector.shape_cast %broadcast_in_dim3A_7 : vector<16xf32> to vector<16xf32>
    tpu.vector_store %arg6[%swap3A_171], %swap3A_174 {strides = array<i32>} : memref<80xf32, #tpu.memory_space<vmem>>, vector<16xf32>,
    %swap3A_175 = arith.constant 32 : index
    %swap3A_176 = tpu.vector_load %arg6[%swap3A_175] {strides = array<i32>} : memref<80xf32, #tpu.memory_space<vmem>>, vector<16xf32>,
    %swap3A_177 = vector.shape_cast %swap3A_176 : vector<16xf32> to vector<16xf32>
    %swap3A_178 = vector.shape_cast %broadcast_in_dim3A_7 : vector<16xf32> to vector<16xf32>
    tpu.vector_store %arg6[%swap3A_175], %swap3A_178 {strides = array<i32>} : memref<80xf32, #tpu.memory_space<vmem>>, vector<16xf32>,
    %swap3A_179 = arith.constant 48 : index
    %swap3A_180 = tpu.vector_load %arg6[%swap3A_179] {strides = array<i32>} : memref<80xf32, #tpu.memory_space<vmem>>, vector<16xf32>,
    %swap3A_181 = vector.shape_cast %swap3A_180 : vector<16xf32> to vector<16xf32>
    %swap3A_182 = vector.shape_cast %broadcast_in_dim3A_7 : vector<16xf32> to vector<16xf32>
    tpu.vector_store %arg6[%swap3A_179], %swap3A_182 {strides = array<i32>} : memref<80xf32, #tpu.memory_space<vmem>>, vector<16xf32>,
    %swap3A_183 = arith.constant 64 : index
    %swap3A_184 = tpu.vector_load %arg6[%swap3A_183] {strides = array<i32>} : memref<80xf32, #tpu.memory_space<vmem>>, vector<16xf32>,
    %swap3A_185 = vector.shape_cast %swap3A_184 : vector<16xf32> to vector<16xf32>
    %swap3A_186 = vector.shape_cast %broadcast_in_dim3A_7 : vector<16xf32> to vector<16xf32>
    tpu.vector_store %arg6[%swap3A_183], %swap3A_186 {strides = array<i32>} : memref<80xf32, #tpu.memory_space<vmem>>, vector<16xf32>,
    "tpu.region"() ({
      %run_scoped3A_242 = tpu.sem_alloc : memref<!tpu.dma_semaphore, #tpu.memory_space<semaphore_mem>>
      %dma_start3A_243 = tpu.memref_slice %arg13[%mul3A_4] : memref<10240xf32, #tpu.memory_space<vmem_shared>> -> memref<640xf32, #tpu.memory_space<vmem_shared>>
      %dma_start3A_244 = tpu.memref_slice %arg13[%mul3A_4] : memref<10240xf32, #tpu.memory_space<vmem_shared>> -> memref<640xf32, #tpu.memory_space<vmem_shared>>
      tpu.enqueue_dma source(%arg5 : memref<640xf32, #tpu.memory_space<vmem>>) target(%dma_start3A_244 : memref<640xf32, #tpu.memory_space<vmem_shared>>) target_semaphore(%run_scoped3A_242 : memref<!tpu.dma_semaphore, #tpu.memory_space<semaphore_mem>>)
      %dma_wait3A_245 = tpu.memref_slice %arg13[%mul3A_4] : memref<10240xf32, #tpu.memory_space<vmem_shared>> -> memref<640xf32, #tpu.memory_space<vmem_shared>>
      %dma_wait3A_246 = tpu.memref_slice %arg13[%mul3A_4] : memref<10240xf32, #tpu.memory_space<vmem_shared>> -> memref<640xf32, #tpu.memory_space<vmem_shared>>
      tpu.wait_dma2 semaphore(%run_scoped3A_242 : memref<!tpu.dma_semaphore, #tpu.memory_space<semaphore_mem>>) src(%arg5 : memref<640xf32, #tpu.memory_space<vmem>>) dst(%dma_wait3A_246 : memref<640xf32, #tpu.memory_space<vmem_shared>>)
      tpu.yield
    }) : () -> ()
    "tpu.region"() ({
      %run_scoped3A_242 = tpu.sem_alloc : memref<!tpu.dma_semaphore, #tpu.memory_space<semaphore_mem>>
      %dma_start3A_243 = tpu.memref_slice %arg14[%mul3A_4] : memref<10240xf32, #tpu.memory_space<vmem_shared>> -> memref<640xf32, #tpu.memory_space<vmem_shared>>
      %dma_start3A_244 = tpu.memref_slice %arg14[%mul3A_4] : memref<10240xf32, #tpu.memory_space<vmem_shared>> -> memref<640xf32, #tpu.memory_space<vmem_shared>>
      tpu.enqueue_dma source(%arg5 : memref<640xf32, #tpu.memory_space<vmem>>) target(%dma_start3A_244 : memref<640xf32, #tpu.memory_space<vmem_shared>>) target_semaphore(%run_scoped3A_242 : memref<!tpu.dma_semaphore, #tpu.memory_space<semaphore_mem>>)
      %dma_wait3A_245 = tpu.memref_slice %arg14[%mul3A_4] : memref<10240xf32, #tpu.memory_space<vmem_shared>> -> memref<640xf32, #tpu.memory_space<vmem_shared>>
      %dma_wait3A_246 = tpu.memref_slice %arg14[%mul3A_4] : memref<10240xf32, #tpu.memory_space<vmem_shared>> -> memref<640xf32, #tpu.memory_space<vmem_shared>>
      tpu.wait_dma2 semaphore(%run_scoped3A_242 : memref<!tpu.dma_semaphore, #tpu.memory_space<semaphore_mem>>) src(%arg5 : memref<640xf32, #tpu.memory_space<vmem>>) dst(%dma_wait3A_246 : memref<640xf32, #tpu.memory_space<vmem_shared>>)
      tpu.yield
    }) : () -> ()
    %barrier3A = arith.constant 0 : index
    tpu.barrier barrier_id(%barrier3A)
    %add3A_187 = arith.constant 0 : i32
    %add3A_188 = arith.addi %mul3A_2, %add3A_187 : i32
    %dma_start3A = tpu.memref_slice %arg2[%add3A_188] : memref<320000xi32, #tpu.memory_space<hbm>> -> memref<80xi32, #tpu.memory_space<hbm>>
    %dma_start3A_189 = tpu.memref_slice %arg2[%add3A_188] : memref<320000xi32, #tpu.memory_space<hbm>> -> memref<80xi32, #tpu.memory_space<hbm>>
    tpu.enqueue_dma source(%dma_start3A_189 : memref<80xi32, #tpu.memory_space<hbm>>) target(%arg7 : memref<80xi32, #tpu.memory_space<vmem>>) target_semaphore(%arg15 : memref<!tpu.dma_semaphore, #tpu.memory_space<semaphore_mem>>)
    %dma_start3A_190 = tpu.memref_slice %arg3[%add3A_188] : memref<320000xi32, #tpu.memory_space<hbm>> -> memref<80xi32, #tpu.memory_space<hbm>>
    %dma_start3A_191 = tpu.memref_slice %arg3[%add3A_188] : memref<320000xi32, #tpu.memory_space<hbm>> -> memref<80xi32, #tpu.memory_space<hbm>>
    tpu.enqueue_dma source(%dma_start3A_191 : memref<80xi32, #tpu.memory_space<hbm>>) target(%arg8 : memref<80xi32, #tpu.memory_space<vmem>>) target_semaphore(%arg15 : memref<!tpu.dma_semaphore, #tpu.memory_space<semaphore_mem>>)
    %add3A_192 = arith.constant 80 : i32
    %add3A_193 = arith.addi %mul3A_2, %add3A_192 : i32
    %dma_start3A_194 = tpu.memref_slice %arg2[%add3A_193] : memref<320000xi32, #tpu.memory_space<hbm>> -> memref<80xi32, #tpu.memory_space<hbm>>
    %dma_start3A_195 = tpu.memref_slice %arg2[%add3A_193] : memref<320000xi32, #tpu.memory_space<hbm>> -> memref<80xi32, #tpu.memory_space<hbm>>
    tpu.enqueue_dma source(%dma_start3A_195 : memref<80xi32, #tpu.memory_space<hbm>>) target(%arg9 : memref<80xi32, #tpu.memory_space<vmem>>) target_semaphore(%arg15 : memref<!tpu.dma_semaphore, #tpu.memory_space<semaphore_mem>>)
    %dma_start3A_196 = tpu.memref_slice %arg3[%add3A_193] : memref<320000xi32, #tpu.memory_space<hbm>> -> memref<80xi32, #tpu.memory_space<hbm>>
    %dma_start3A_197 = tpu.memref_slice %arg3[%add3A_193] : memref<320000xi32, #tpu.memory_space<hbm>> -> memref<80xi32, #tpu.memory_space<hbm>>
    tpu.enqueue_dma source(%dma_start3A_197 : memref<80xi32, #tpu.memory_space<hbm>>) target(%arg10 : memref<80xi32, #tpu.memory_space<vmem>>) target_semaphore(%arg15 : memref<!tpu.dma_semaphore, #tpu.memory_space<semaphore_mem>>)
    %dma_wait3A = arith.constant 0 : i32
    %dma_wait3A_198 = tpu.memref_slice %arg2[%dma_wait3A] : memref<320000xi32, #tpu.memory_space<hbm>> -> memref<80xi32, #tpu.memory_space<hbm>>
    %dma_wait3A_199 = arith.constant 0 : i32
    %dma_wait3A_200 = tpu.memref_slice %arg2[%dma_wait3A_199] : memref<320000xi32, #tpu.memory_space<hbm>> -> memref<80xi32, #tpu.memory_space<hbm>>
    tpu.wait_dma2 semaphore(%arg15 : memref<!tpu.dma_semaphore, #tpu.memory_space<semaphore_mem>>) src(%dma_wait3A_200 : memref<80xi32, #tpu.memory_space<hbm>>) dst(%arg7 : memref<80xi32, #tpu.memory_space<vmem>>)
    %dma_wait3A_201 = arith.constant 0 : i32
    %dma_wait3A_202 = tpu.memref_slice %arg3[%dma_wait3A_201] : memref<320000xi32, #tpu.memory_space<hbm>> -> memref<80xi32, #tpu.memory_space<hbm>>
    %dma_wait3A_203 = arith.constant 0 : i32
    %dma_wait3A_204 = tpu.memref_slice %arg3[%dma_wait3A_203] : memref<320000xi32, #tpu.memory_space<hbm>> -> memref<80xi32, #tpu.memory_space<hbm>>
    tpu.wait_dma2 semaphore(%arg15 : memref<!tpu.dma_semaphore, #tpu.memory_space<semaphore_mem>>) src(%dma_wait3A_204 : memref<80xi32, #tpu.memory_space<hbm>>) dst(%arg8 : memref<80xi32, #tpu.memory_space<vmem>>)
    %dma_start3A_205 = arith.constant 0 : i32
    %dma_start3A_206 = tpu.memref_slice %arg13[%dma_start3A_205] : memref<10240xf32, #tpu.memory_space<vmem_shared>> -> memref<10240xf32, #tpu.memory_space<vmem_shared>>
    tpu.enqueue_indirect_dma source(%arg6 : memref<80xf32, #tpu.memory_space<vmem>>) target(%dma_start3A_206 : memref<10240xf32, #tpu.memory_space<vmem_shared>>) offsets(%arg7 : memref<80xi32, #tpu.memory_space<vmem>>) semaphore(%arg16 : memref<!tpu.dma_semaphore, #tpu.memory_space<semaphore_mem>>) {add = true}
    %dma_start3A_207 = arith.constant 0 : i32
    %dma_start3A_208 = tpu.memref_slice %arg14[%dma_start3A_207] : memref<10240xf32, #tpu.memory_space<vmem_shared>> -> memref<10240xf32, #tpu.memory_space<vmem_shared>>
    tpu.enqueue_indirect_dma source(%arg6 : memref<80xf32, #tpu.memory_space<vmem>>) target(%dma_start3A_208 : memref<10240xf32, #tpu.memory_space<vmem_shared>>) offsets(%arg8 : memref<80xi32, #tpu.memory_space<vmem>>) semaphore(%arg16 : memref<!tpu.dma_semaphore, #tpu.memory_space<semaphore_mem>>) {add = true}
    %add3A_209 = arith.constant 160 : i32
    %add3A_210 = arith.addi %mul3A_2, %add3A_209 : i32
    %dma_start3A_211 = tpu.memref_slice %arg2[%add3A_210] : memref<320000xi32, #tpu.memory_space<hbm>> -> memref<80xi32, #tpu.memory_space<hbm>>
    %dma_start3A_212 = tpu.memref_slice %arg2[%add3A_210] : memref<320000xi32, #tpu.memory_space<hbm>> -> memref<80xi32, #tpu.memory_space<hbm>>
    tpu.enqueue_dma source(%dma_start3A_212 : memref<80xi32, #tpu.memory_space<hbm>>) target(%arg11 : memref<80xi32, #tpu.memory_space<vmem>>) target_semaphore(%arg15 : memref<!tpu.dma_semaphore, #tpu.memory_space<semaphore_mem>>)
    %dma_start3A_213 = tpu.memref_slice %arg3[%add3A_210] : memref<320000xi32, #tpu.memory_space<hbm>> -> memref<80xi32, #tpu.memory_space<hbm>>
    %dma_start3A_214 = tpu.memref_slice %arg3[%add3A_210] : memref<320000xi32, #tpu.memory_space<hbm>> -> memref<80xi32, #tpu.memory_space<hbm>>
    tpu.enqueue_dma source(%dma_start3A_214 : memref<80xi32, #tpu.memory_space<hbm>>) target(%arg12 : memref<80xi32, #tpu.memory_space<vmem>>) target_semaphore(%arg15 : memref<!tpu.dma_semaphore, #tpu.memory_space<semaphore_mem>>)
    %scan3A = arith.constant 0 : i32
    %scan3A_215 = arith.constant 0 : i32
    %scan3A_216 = arith.constant 41 : i32
    %scan3A_217 = arith.addi %scan3A_215, %scan3A_216 : i32
    %scan3A_218 = arith.constant 1 : i32
    scf.for %scan3A_242 = %scan3A_215 to %scan3A_217 step %scan3A_218  : i32 {
      %mul3A_243 = arith.constant 3 : i32
      %mul3A_244 = arith.muli %mul3A_243, %scan3A_242 : i32
      %add3A_245 = arith.constant 1 : i32
      %add3A_246 = arith.addi %add3A_245, %mul3A_244 : i32
      %dma_wait3A_247 = arith.constant 0 : i32
      %dma_wait3A_248 = tpu.memref_slice %arg2[%dma_wait3A_247] : memref<320000xi32, #tpu.memory_space<hbm>> -> memref<80xi32, #tpu.memory_space<hbm>>
      %dma_wait3A_249 = arith.constant 0 : i32
      %dma_wait3A_250 = tpu.memref_slice %arg2[%dma_wait3A_249] : memref<320000xi32, #tpu.memory_space<hbm>> -> memref<80xi32, #tpu.memory_space<hbm>>
      tpu.wait_dma2 semaphore(%arg15 : memref<!tpu.dma_semaphore, #tpu.memory_space<semaphore_mem>>) src(%dma_wait3A_250 : memref<80xi32, #tpu.memory_space<hbm>>) dst(%arg9 : memref<80xi32, #tpu.memory_space<vmem>>)
      %dma_wait3A_251 = arith.constant 0 : i32
      %dma_wait3A_252 = tpu.memref_slice %arg3[%dma_wait3A_251] : memref<320000xi32, #tpu.memory_space<hbm>> -> memref<80xi32, #tpu.memory_space<hbm>>
      %dma_wait3A_253 = arith.constant 0 : i32
      %dma_wait3A_254 = tpu.memref_slice %arg3[%dma_wait3A_253] : memref<320000xi32, #tpu.memory_space<hbm>> -> memref<80xi32, #tpu.memory_space<hbm>>
      tpu.wait_dma2 semaphore(%arg15 : memref<!tpu.dma_semaphore, #tpu.memory_space<semaphore_mem>>) src(%dma_wait3A_254 : memref<80xi32, #tpu.memory_space<hbm>>) dst(%arg10 : memref<80xi32, #tpu.memory_space<vmem>>)
      %dma_wait3A_255 = arith.constant 0 : i32
      %dma_wait3A_256 = tpu.memref_slice %arg13[%dma_wait3A_255] : memref<10240xf32, #tpu.memory_space<vmem_shared>> -> memref<10240xf32, #tpu.memory_space<vmem_shared>>
      tpu.wait_indirect_dma semaphore(%arg16 : memref<!tpu.dma_semaphore, #tpu.memory_space<semaphore_mem>>) src(%arg6 : memref<80xf32, #tpu.memory_space<vmem>>) dst(%dma_wait3A_256 : memref<10240xf32, #tpu.memory_space<vmem_shared>>)
      %dma_wait3A_257 = arith.constant 0 : i32
      %dma_wait3A_258 = tpu.memref_slice %arg14[%dma_wait3A_257] : memref<10240xf32, #tpu.memory_space<vmem_shared>> -> memref<10240xf32, #tpu.memory_space<vmem_shared>>
      tpu.wait_indirect_dma semaphore(%arg16 : memref<!tpu.dma_semaphore, #tpu.memory_space<semaphore_mem>>) src(%arg6 : memref<80xf32, #tpu.memory_space<vmem>>) dst(%dma_wait3A_258 : memref<10240xf32, #tpu.memory_space<vmem_shared>>)
      %dma_start3A_259 = arith.constant 0 : i32
      %dma_start3A_260 = tpu.memref_slice %arg13[%dma_start3A_259] : memref<10240xf32, #tpu.memory_space<vmem_shared>> -> memref<10240xf32, #tpu.memory_space<vmem_shared>>
      tpu.enqueue_indirect_dma source(%arg6 : memref<80xf32, #tpu.memory_space<vmem>>) target(%dma_start3A_260 : memref<10240xf32, #tpu.memory_space<vmem_shared>>) offsets(%arg9 : memref<80xi32, #tpu.memory_space<vmem>>) semaphore(%arg16 : memref<!tpu.dma_semaphore, #tpu.memory_space<semaphore_mem>>) {add = true}
      %dma_start3A_261 = arith.constant 0 : i32
      %dma_start3A_262 = tpu.memref_slice %arg14[%dma_start3A_261] : memref<10240xf32, #tpu.memory_space<vmem_shared>> -> memref<10240xf32, #tpu.memory_space<vmem_shared>>
      tpu.enqueue_indirect_dma source(%arg6 : memref<80xf32, #tpu.memory_space<vmem>>) target(%dma_start3A_262 : memref<10240xf32, #tpu.memory_space<vmem_shared>>) offsets(%arg10 : memref<80xi32, #tpu.memory_space<vmem>>) semaphore(%arg16 : memref<!tpu.dma_semaphore, #tpu.memory_space<semaphore_mem>>) {add = true}
      %add3A_263 = arith.constant 2 : i32
      %add3A_264 = arith.addi %add3A_246, %add3A_263 : i32
      %mul3A_265 = arith.constant 80 : i32
      %mul3A_266 = arith.muli %add3A_264, %mul3A_265 : i32
      %add3A_267 = arith.addi %mul3A_2, %mul3A_266 : i32
      %dma_start3A_268 = tpu.memref_slice %arg2[%add3A_267] : memref<320000xi32, #tpu.memory_space<hbm>> -> memref<80xi32, #tpu.memory_space<hbm>>
      %dma_start3A_269 = tpu.memref_slice %arg2[%add3A_267] : memref<320000xi32, #tpu.memory_space<hbm>> -> memref<80xi32, #tpu.memory_space<hbm>>
      tpu.enqueue_dma source(%dma_start3A_269 : memref<80xi32, #tpu.memory_space<hbm>>) target(%arg7 : memref<80xi32, #tpu.memory_space<vmem>>) target_semaphore(%arg15 : memref<!tpu.dma_semaphore, #tpu.memory_space<semaphore_mem>>)
      %dma_start3A_270 = tpu.memref_slice %arg3[%add3A_267] : memref<320000xi32, #tpu.memory_space<hbm>> -> memref<80xi32, #tpu.memory_space<hbm>>
      %dma_start3A_271 = tpu.memref_slice %arg3[%add3A_267] : memref<320000xi32, #tpu.memory_space<hbm>> -> memref<80xi32, #tpu.memory_space<hbm>>
      tpu.enqueue_dma source(%dma_start3A_271 : memref<80xi32, #tpu.memory_space<hbm>>) target(%arg8 : memref<80xi32, #tpu.memory_space<vmem>>) target_semaphore(%arg15 : memref<!tpu.dma_semaphore, #tpu.memory_space<semaphore_mem>>)
      %add3A_272 = arith.constant 1 : i32
      %add3A_273 = arith.addi %add3A_246, %add3A_272 : i32
      %dma_wait3A_274 = arith.constant 0 : i32
      %dma_wait3A_275 = tpu.memref_slice %arg2[%dma_wait3A_274] : memref<320000xi32, #tpu.memory_space<hbm>> -> memref<80xi32, #tpu.memory_space<hbm>>
      %dma_wait3A_276 = arith.constant 0 : i32
      %dma_wait3A_277 = tpu.memref_slice %arg2[%dma_wait3A_276] : memref<320000xi32, #tpu.memory_space<hbm>> -> memref<80xi32, #tpu.memory_space<hbm>>
      tpu.wait_dma2 semaphore(%arg15 : memref<!tpu.dma_semaphore, #tpu.memory_space<semaphore_mem>>) src(%dma_wait3A_277 : memref<80xi32, #tpu.memory_space<hbm>>) dst(%arg11 : memref<80xi32, #tpu.memory_space<vmem>>)
      %dma_wait3A_278 = arith.constant 0 : i32
      %dma_wait3A_279 = tpu.memref_slice %arg3[%dma_wait3A_278] : memref<320000xi32, #tpu.memory_space<hbm>> -> memref<80xi32, #tpu.memory_space<hbm>>
      %dma_wait3A_280 = arith.constant 0 : i32
      %dma_wait3A_281 = tpu.memref_slice %arg3[%dma_wait3A_280] : memref<320000xi32, #tpu.memory_space<hbm>> -> memref<80xi32, #tpu.memory_space<hbm>>
      tpu.wait_dma2 semaphore(%arg15 : memref<!tpu.dma_semaphore, #tpu.memory_space<semaphore_mem>>) src(%dma_wait3A_281 : memref<80xi32, #tpu.memory_space<hbm>>) dst(%arg12 : memref<80xi32, #tpu.memory_space<vmem>>)
      %dma_wait3A_282 = arith.constant 0 : i32
      %dma_wait3A_283 = tpu.memref_slice %arg13[%dma_wait3A_282] : memref<10240xf32, #tpu.memory_space<vmem_shared>> -> memref<10240xf32, #tpu.memory_space<vmem_shared>>
      tpu.wait_indirect_dma semaphore(%arg16 : memref<!tpu.dma_semaphore, #tpu.memory_space<semaphore_mem>>) src(%arg6 : memref<80xf32, #tpu.memory_space<vmem>>) dst(%dma_wait3A_283 : memref<10240xf32, #tpu.memory_space<vmem_shared>>)
      %dma_wait3A_284 = arith.constant 0 : i32
      %dma_wait3A_285 = tpu.memref_slice %arg14[%dma_wait3A_284] : memref<10240xf32, #tpu.memory_space<vmem_shared>> -> memref<10240xf32, #tpu.memory_space<vmem_shared>>
      tpu.wait_indirect_dma semaphore(%arg16 : memref<!tpu.dma_semaphore, #tpu.memory_space<semaphore_mem>>) src(%arg6 : memref<80xf32, #tpu.memory_space<vmem>>) dst(%dma_wait3A_285 : memref<10240xf32, #tpu.memory_space<vmem_shared>>)
      %dma_start3A_286 = arith.constant 0 : i32
      %dma_start3A_287 = tpu.memref_slice %arg13[%dma_start3A_286] : memref<10240xf32, #tpu.memory_space<vmem_shared>> -> memref<10240xf32, #tpu.memory_space<vmem_shared>>
      tpu.enqueue_indirect_dma source(%arg6 : memref<80xf32, #tpu.memory_space<vmem>>) target(%dma_start3A_287 : memref<10240xf32, #tpu.memory_space<vmem_shared>>) offsets(%arg11 : memref<80xi32, #tpu.memory_space<vmem>>) semaphore(%arg16 : memref<!tpu.dma_semaphore, #tpu.memory_space<semaphore_mem>>) {add = true}
      %dma_start3A_288 = arith.constant 0 : i32
      %dma_start3A_289 = tpu.memref_slice %arg14[%dma_start3A_288] : memref<10240xf32, #tpu.memory_space<vmem_shared>> -> memref<10240xf32, #tpu.memory_space<vmem_shared>>
      tpu.enqueue_indirect_dma source(%arg6 : memref<80xf32, #tpu.memory_space<vmem>>) target(%dma_start3A_289 : memref<10240xf32, #tpu.memory_space<vmem_shared>>) offsets(%arg12 : memref<80xi32, #tpu.memory_space<vmem>>) semaphore(%arg16 : memref<!tpu.dma_semaphore, #tpu.memory_space<semaphore_mem>>) {add = true}
      %add3A_290 = arith.constant 2 : i32
      %add3A_291 = arith.addi %add3A_273, %add3A_290 : i32
      %mul3A_292 = arith.constant 80 : i32
      %mul3A_293 = arith.muli %add3A_291, %mul3A_292 : i32
      %add3A_294 = arith.addi %mul3A_2, %mul3A_293 : i32
      %dma_start3A_295 = tpu.memref_slice %arg2[%add3A_294] : memref<320000xi32, #tpu.memory_space<hbm>> -> memref<80xi32, #tpu.memory_space<hbm>>
      %dma_start3A_296 = tpu.memref_slice %arg2[%add3A_294] : memref<320000xi32, #tpu.memory_space<hbm>> -> memref<80xi32, #tpu.memory_space<hbm>>
      tpu.enqueue_dma source(%dma_start3A_296 : memref<80xi32, #tpu.memory_space<hbm>>) target(%arg9 : memref<80xi32, #tpu.memory_space<vmem>>) target_semaphore(%arg15 : memref<!tpu.dma_semaphore, #tpu.memory_space<semaphore_mem>>)
      %dma_start3A_297 = tpu.memref_slice %arg3[%add3A_294] : memref<320000xi32, #tpu.memory_space<hbm>> -> memref<80xi32, #tpu.memory_space<hbm>>
      %dma_start3A_298 = tpu.memref_slice %arg3[%add3A_294] : memref<320000xi32, #tpu.memory_space<hbm>> -> memref<80xi32, #tpu.memory_space<hbm>>
      tpu.enqueue_dma source(%dma_start3A_298 : memref<80xi32, #tpu.memory_space<hbm>>) target(%arg10 : memref<80xi32, #tpu.memory_space<vmem>>) target_semaphore(%arg15 : memref<!tpu.dma_semaphore, #tpu.memory_space<semaphore_mem>>)
      %add3A_299 = arith.constant 2 : i32
      %add3A_300 = arith.addi %add3A_246, %add3A_299 : i32
      %dma_wait3A_301 = arith.constant 0 : i32
      %dma_wait3A_302 = tpu.memref_slice %arg2[%dma_wait3A_301] : memref<320000xi32, #tpu.memory_space<hbm>> -> memref<80xi32, #tpu.memory_space<hbm>>
      %dma_wait3A_303 = arith.constant 0 : i32
      %dma_wait3A_304 = tpu.memref_slice %arg2[%dma_wait3A_303] : memref<320000xi32, #tpu.memory_space<hbm>> -> memref<80xi32, #tpu.memory_space<hbm>>
      tpu.wait_dma2 semaphore(%arg15 : memref<!tpu.dma_semaphore, #tpu.memory_space<semaphore_mem>>) src(%dma_wait3A_304 : memref<80xi32, #tpu.memory_space<hbm>>) dst(%arg7 : memref<80xi32, #tpu.memory_space<vmem>>)
      %dma_wait3A_305 = arith.constant 0 : i32
      %dma_wait3A_306 = tpu.memref_slice %arg3[%dma_wait3A_305] : memref<320000xi32, #tpu.memory_space<hbm>> -> memref<80xi32, #tpu.memory_space<hbm>>
      %dma_wait3A_307 = arith.constant 0 : i32
      %dma_wait3A_308 = tpu.memref_slice %arg3[%dma_wait3A_307] : memref<320000xi32, #tpu.memory_space<hbm>> -> memref<80xi32, #tpu.memory_space<hbm>>
      tpu.wait_dma2 semaphore(%arg15 : memref<!tpu.dma_semaphore, #tpu.memory_space<semaphore_mem>>) src(%dma_wait3A_308 : memref<80xi32, #tpu.memory_space<hbm>>) dst(%arg8 : memref<80xi32, #tpu.memory_space<vmem>>)
      %dma_wait3A_309 = arith.constant 0 : i32
      %dma_wait3A_310 = tpu.memref_slice %arg13[%dma_wait3A_309] : memref<10240xf32, #tpu.memory_space<vmem_shared>> -> memref<10240xf32, #tpu.memory_space<vmem_shared>>
      tpu.wait_indirect_dma semaphore(%arg16 : memref<!tpu.dma_semaphore, #tpu.memory_space<semaphore_mem>>) src(%arg6 : memref<80xf32, #tpu.memory_space<vmem>>) dst(%dma_wait3A_310 : memref<10240xf32, #tpu.memory_space<vmem_shared>>)
      %dma_wait3A_311 = arith.constant 0 : i32
      %dma_wait3A_312 = tpu.memref_slice %arg14[%dma_wait3A_311] : memref<10240xf32, #tpu.memory_space<vmem_shared>> -> memref<10240xf32, #tpu.memory_space<vmem_shared>>
      tpu.wait_indirect_dma semaphore(%arg16 : memref<!tpu.dma_semaphore, #tpu.memory_space<semaphore_mem>>) src(%arg6 : memref<80xf32, #tpu.memory_space<vmem>>) dst(%dma_wait3A_312 : memref<10240xf32, #tpu.memory_space<vmem_shared>>)
      %dma_start3A_313 = arith.constant 0 : i32
      %dma_start3A_314 = tpu.memref_slice %arg13[%dma_start3A_313] : memref<10240xf32, #tpu.memory_space<vmem_shared>> -> memref<10240xf32, #tpu.memory_space<vmem_shared>>
      tpu.enqueue_indirect_dma source(%arg6 : memref<80xf32, #tpu.memory_space<vmem>>) target(%dma_start3A_314 : memref<10240xf32, #tpu.memory_space<vmem_shared>>) offsets(%arg7 : memref<80xi32, #tpu.memory_space<vmem>>) semaphore(%arg16 : memref<!tpu.dma_semaphore, #tpu.memory_space<semaphore_mem>>) {add = true}
      %dma_start3A_315 = arith.constant 0 : i32
      %dma_start3A_316 = tpu.memref_slice %arg14[%dma_start3A_315] : memref<10240xf32, #tpu.memory_space<vmem_shared>> -> memref<10240xf32, #tpu.memory_space<vmem_shared>>
      tpu.enqueue_indirect_dma source(%arg6 : memref<80xf32, #tpu.memory_space<vmem>>) target(%dma_start3A_316 : memref<10240xf32, #tpu.memory_space<vmem_shared>>) offsets(%arg8 : memref<80xi32, #tpu.memory_space<vmem>>) semaphore(%arg16 : memref<!tpu.dma_semaphore, #tpu.memory_space<semaphore_mem>>) {add = true}
      %add3A_317 = arith.constant 2 : i32
      %add3A_318 = arith.addi %add3A_300, %add3A_317 : i32
      %lt3A = arith.constant 125 : i32
      %lt3A_319 = arith.cmpi slt, %add3A_318, %lt3A : i32
      %convert_element_type3A = arith.extui %lt3A_319 : i1 to i32
      %cond3A = arith.constant 0 : i32
      %cond3A_320 = arith.cmpi ne, %convert_element_type3A, %cond3A : i32
      scf.if %cond3A_320 {
        %add3A_321 = arith.constant 2 : i32
        %add3A_322 = arith.addi %add3A_300, %add3A_321 : i32
        %mul3A_323 = arith.constant 80 : i32
        %mul3A_324 = arith.muli %add3A_322, %mul3A_323 : i32
        %add3A_325 = arith.addi %mul3A_2, %mul3A_324 : i32
        %dma_start3A_326 = tpu.memref_slice %arg2[%add3A_325] : memref<320000xi32, #tpu.memory_space<hbm>> -> memref<80xi32, #tpu.memory_space<hbm>>
        %dma_start3A_327 = tpu.memref_slice %arg2[%add3A_325] : memref<320000xi32, #tpu.memory_space<hbm>> -> memref<80xi32, #tpu.memory_space<hbm>>
        tpu.enqueue_dma source(%dma_start3A_327 : memref<80xi32, #tpu.memory_space<hbm>>) target(%arg11 : memref<80xi32, #tpu.memory_space<vmem>>) target_semaphore(%arg15 : memref<!tpu.dma_semaphore, #tpu.memory_space<semaphore_mem>>)
        %dma_start3A_328 = tpu.memref_slice %arg3[%add3A_325] : memref<320000xi32, #tpu.memory_space<hbm>> -> memref<80xi32, #tpu.memory_space<hbm>>
        %dma_start3A_329 = tpu.memref_slice %arg3[%add3A_325] : memref<320000xi32, #tpu.memory_space<hbm>> -> memref<80xi32, #tpu.memory_space<hbm>>
        tpu.enqueue_dma source(%dma_start3A_329 : memref<80xi32, #tpu.memory_space<hbm>>) target(%arg12 : memref<80xi32, #tpu.memory_space<vmem>>) target_semaphore(%arg15 : memref<!tpu.dma_semaphore, #tpu.memory_space<semaphore_mem>>)
      } else {
      }
    }
    %scan3A_219 = arith.constant 41 : i32
    %dma_wait3A_220 = arith.constant 0 : i32
    %dma_wait3A_221 = tpu.memref_slice %arg2[%dma_wait3A_220] : memref<320000xi32, #tpu.memory_space<hbm>> -> memref<80xi32, #tpu.memory_space<hbm>>
    %dma_wait3A_222 = arith.constant 0 : i32
    %dma_wait3A_223 = tpu.memref_slice %arg2[%dma_wait3A_222] : memref<320000xi32, #tpu.memory_space<hbm>> -> memref<80xi32, #tpu.memory_space<hbm>>
    tpu.wait_dma2 semaphore(%arg15 : memref<!tpu.dma_semaphore, #tpu.memory_space<semaphore_mem>>) src(%dma_wait3A_223 : memref<80xi32, #tpu.memory_space<hbm>>) dst(%arg9 : memref<80xi32, #tpu.memory_space<vmem>>)
    %dma_wait3A_224 = arith.constant 0 : i32
    %dma_wait3A_225 = tpu.memref_slice %arg3[%dma_wait3A_224] : memref<320000xi32, #tpu.memory_space<hbm>> -> memref<80xi32, #tpu.memory_space<hbm>>
    %dma_wait3A_226 = arith.constant 0 : i32
    %dma_wait3A_227 = tpu.memref_slice %arg3[%dma_wait3A_226] : memref<320000xi32, #tpu.memory_space<hbm>> -> memref<80xi32, #tpu.memory_space<hbm>>
    tpu.wait_dma2 semaphore(%arg15 : memref<!tpu.dma_semaphore, #tpu.memory_space<semaphore_mem>>) src(%dma_wait3A_227 : memref<80xi32, #tpu.memory_space<hbm>>) dst(%arg10 : memref<80xi32, #tpu.memory_space<vmem>>)
    %dma_wait3A_228 = arith.constant 0 : i32
    %dma_wait3A_229 = tpu.memref_slice %arg13[%dma_wait3A_228] : memref<10240xf32, #tpu.memory_space<vmem_shared>> -> memref<10240xf32, #tpu.memory_space<vmem_shared>>
    tpu.wait_indirect_dma semaphore(%arg16 : memref<!tpu.dma_semaphore, #tpu.memory_space<semaphore_mem>>) src(%arg6 : memref<80xf32, #tpu.memory_space<vmem>>) dst(%dma_wait3A_229 : memref<10240xf32, #tpu.memory_space<vmem_shared>>)
    %dma_wait3A_230 = arith.constant 0 : i32
    %dma_wait3A_231 = tpu.memref_slice %arg14[%dma_wait3A_230] : memref<10240xf32, #tpu.memory_space<vmem_shared>> -> memref<10240xf32, #tpu.memory_space<vmem_shared>>
    tpu.wait_indirect_dma semaphore(%arg16 : memref<!tpu.dma_semaphore, #tpu.memory_space<semaphore_mem>>) src(%arg6 : memref<80xf32, #tpu.memory_space<vmem>>) dst(%dma_wait3A_231 : memref<10240xf32, #tpu.memory_space<vmem_shared>>)
    %dma_start3A_232 = arith.constant 0 : i32
    %dma_start3A_233 = tpu.memref_slice %arg13[%dma_start3A_232] : memref<10240xf32, #tpu.memory_space<vmem_shared>> -> memref<10240xf32, #tpu.memory_space<vmem_shared>>
    tpu.enqueue_indirect_dma source(%arg6 : memref<80xf32, #tpu.memory_space<vmem>>) target(%dma_start3A_233 : memref<10240xf32, #tpu.memory_space<vmem_shared>>) offsets(%arg9 : memref<80xi32, #tpu.memory_space<vmem>>) semaphore(%arg16 : memref<!tpu.dma_semaphore, #tpu.memory_space<semaphore_mem>>) {add = true}
    %dma_start3A_234 = arith.constant 0 : i32
    %dma_start3A_235 = tpu.memref_slice %arg14[%dma_start3A_234] : memref<10240xf32, #tpu.memory_space<vmem_shared>> -> memref<10240xf32, #tpu.memory_space<vmem_shared>>
    tpu.enqueue_indirect_dma source(%arg6 : memref<80xf32, #tpu.memory_space<vmem>>) target(%dma_start3A_235 : memref<10240xf32, #tpu.memory_space<vmem_shared>>) offsets(%arg10 : memref<80xi32, #tpu.memory_space<vmem>>) semaphore(%arg16 : memref<!tpu.dma_semaphore, #tpu.memory_space<semaphore_mem>>) {add = true}
    %dma_wait3A_236 = arith.constant 0 : i32
    %dma_wait3A_237 = tpu.memref_slice %arg13[%dma_wait3A_236] : memref<10240xf32, #tpu.memory_space<vmem_shared>> -> memref<10240xf32, #tpu.memory_space<vmem_shared>>
    tpu.wait_indirect_dma semaphore(%arg16 : memref<!tpu.dma_semaphore, #tpu.memory_space<semaphore_mem>>) src(%arg6 : memref<80xf32, #tpu.memory_space<vmem>>) dst(%dma_wait3A_237 : memref<10240xf32, #tpu.memory_space<vmem_shared>>)
    %dma_wait3A_238 = arith.constant 0 : i32
    %dma_wait3A_239 = tpu.memref_slice %arg14[%dma_wait3A_238] : memref<10240xf32, #tpu.memory_space<vmem_shared>> -> memref<10240xf32, #tpu.memory_space<vmem_shared>>
    tpu.wait_indirect_dma semaphore(%arg16 : memref<!tpu.dma_semaphore, #tpu.memory_space<semaphore_mem>>) src(%arg6 : memref<80xf32, #tpu.memory_space<vmem>>) dst(%dma_wait3A_239 : memref<10240xf32, #tpu.memory_space<vmem_shared>>)
    %barrier3A_240 = arith.constant 0 : index
    tpu.barrier barrier_id(%barrier3A_240)
    %run_scoped3A = arith.constant 0 : i32
    "tpu.region"() ({
      %run_scoped3A_242 = tpu.sem_alloc : memref<!tpu.dma_semaphore, #tpu.memory_space<semaphore_mem>>
      %dma_start3A_243 = tpu.memref_slice %arg4[%arg0, %run_scoped3A, %mul3A_4] : memref<2x2x10240xf32, #tpu.memory_space<hbm>> -> memref<1x1x640xf32, #tpu.memory_space<hbm>>
      %dma_start3A_244 = tpu.memref_squeeze %dma_start3A_243 : memref<1x1x640xf32, #tpu.memory_space<hbm>> -> memref<640xf32, #tpu.memory_space<hbm>>
      %dma_start3A_245 = tpu.memref_slice %arg13[%mul3A_4] : memref<10240xf32, #tpu.memory_space<vmem_shared>> -> memref<640xf32, #tpu.memory_space<vmem_shared>>
      tpu.enqueue_dma source(%dma_start3A_245 : memref<640xf32, #tpu.memory_space<vmem_shared>>) target(%dma_start3A_244 : memref<640xf32, #tpu.memory_space<hbm>>) target_semaphore(%run_scoped3A_242 : memref<!tpu.dma_semaphore, #tpu.memory_space<semaphore_mem>>)
      %dma_wait3A_246 = tpu.memref_slice %arg4[%arg0, %run_scoped3A, %mul3A_4] : memref<2x2x10240xf32, #tpu.memory_space<hbm>> -> memref<1x1x640xf32, #tpu.memory_space<hbm>>
      %dma_wait3A_247 = tpu.memref_squeeze %dma_wait3A_246 : memref<1x1x640xf32, #tpu.memory_space<hbm>> -> memref<640xf32, #tpu.memory_space<hbm>>
      %dma_wait3A_248 = tpu.memref_slice %arg13[%mul3A_4] : memref<10240xf32, #tpu.memory_space<vmem_shared>> -> memref<640xf32, #tpu.memory_space<vmem_shared>>
      tpu.wait_dma2 semaphore(%run_scoped3A_242 : memref<!tpu.dma_semaphore, #tpu.memory_space<semaphore_mem>>) src(%dma_wait3A_248 : memref<640xf32, #tpu.memory_space<vmem_shared>>) dst(%dma_wait3A_247 : memref<640xf32, #tpu.memory_space<hbm>>)
      tpu.yield
    }) : () -> ()
    %run_scoped3A_241 = arith.constant 1 : i32
    "tpu.region"() ({
      %run_scoped3A_242 = tpu.sem_alloc : memref<!tpu.dma_semaphore, #tpu.memory_space<semaphore_mem>>
      %dma_start3A_243 = tpu.memref_slice %arg4[%arg0, %run_scoped3A_241, %mul3A_4] : memref<2x2x10240xf32, #tpu.memory_space<hbm>> -> memref<1x1x640xf32, #tpu.memory_space<hbm>>
      %dma_start3A_244 = tpu.memref_squeeze %dma_start3A_243 : memref<1x1x640xf32, #tpu.memory_space<hbm>> -> memref<640xf32, #tpu.memory_space<hbm>>
      %dma_start3A_245 = tpu.memref_slice %arg14[%mul3A_4] : memref<10240xf32, #tpu.memory_space<vmem_shared>> -> memref<640xf32, #tpu.memory_space<vmem_shared>>
      tpu.enqueue_dma source(%dma_start3A_245 : memref<640xf32, #tpu.memory_space<vmem_shared>>) target(%dma_start3A_244 : memref<640xf32, #tpu.memory_space<hbm>>) target_semaphore(%run_scoped3A_242 : memref<!tpu.dma_semaphore, #tpu.memory_space<semaphore_mem>>)
      %dma_wait3A_246 = tpu.memref_slice %arg4[%arg0, %run_scoped3A_241, %mul3A_4] : memref<2x2x10240xf32, #tpu.memory_space<hbm>> -> memref<1x1x640xf32, #tpu.memory_space<hbm>>
      %dma_wait3A_247 = tpu.memref_squeeze %dma_wait3A_246 : memref<1x1x640xf32, #tpu.memory_space<hbm>> -> memref<640xf32, #tpu.memory_space<hbm>>
      %dma_wait3A_248 = tpu.memref_slice %arg14[%mul3A_4] : memref<10240xf32, #tpu.memory_space<vmem_shared>> -> memref<640xf32, #tpu.memory_space<vmem_shared>>
      tpu.wait_dma2 semaphore(%run_scoped3A_242 : memref<!tpu.dma_semaphore, #tpu.memory_space<semaphore_mem>>) src(%dma_wait3A_248 : memref<640xf32, #tpu.memory_space<vmem_shared>>) dst(%dma_wait3A_247 : memref<640xf32, #tpu.memory_space<hbm>>)
      tpu.yield
    }) : () -> ()
    return
  }
}

</mosaic_0001>

<sc_bundles>
// kernel: _sc_count.3.cloned.1.call-start
scs
__scs_entry_jumppad:
0x0: {  	(pc) =	sbr.rel $0x88, $3  }
0x1: {  	(tag) =	ssettag $0x0;
	lr =	simm.s32 $0x1  }
0x2: {  	[smem:$0x3F9F] =	sst lr;
	_ =	strace $0xD0000000  }
0x3: {  	_ = 	snop  }
0x4: {  	_ = 	snop  }
0x5: {  	_ = 	snop  }
0x6: {  	_ = 	snop  }
0x7: {  	_ = 	snop  }
__scs_overlays_trampoline_lowered:
0x8: {  	[smem:$0x3FAE] =	sst s0  }
0x9: {  	[smem:$0x3FAF] =	sst s1  }
0xa: {  	[smem:$0x3FB0] =	sst s2  }
0xb: {  	[smem:$0x3FB1] =	sst s3  }
0xc: {  	[smem:$0x3FB2] =	sst s4  }
0xd: {  	[smem:$0x3FB3] =	sst s5  }
0xe: {  	[smem:$0x3FB4] =	sst s6  }
0xf: {  	[smem:$0x3FB5] =	sst s7  }
0x10: {  	[smem:$0x3FB6] =	sst s8  }
0x11: {  	[smem:$0x3FB7] =	sst s9;
	s0 =	simm.s32 @!p0 $0x0  }
0x12: {  	s1 =	sld [smem:$0x3F9D];
	s0 =	simm.s32 @p0 $0x1  }
0x13: {  	[smem:$0x3FB8] =	sst s0;
	s0 =	simm.s32 @!p1 $0x0  }
0x14: {  	s2 =	sld [smem:$0x3F9C];
	s0 =	simm.s32 @p1 $0x1  }
0x15: {  	[smem:$0x3FB9] =	sst s0;
	s0 =	simm.s32 @!p2 $0x0  }
0x16: {  	s3 =	sld [smem:$0x3FDB];
	s0 =	simm.s32 @p2 $0x1  }
0x17: {  	s4 =	simm.s32 $0x1BF5;
	[smem:$0x3FBB] =	sst s0  }
0x18: {  	s0 =	sld [smem:$0x3F9E];
	_ =	swait.ge [sflag:s4], $0x0  }
0x19: {  	s7 =	sld [smem:$0x3F9F]  }
0x1a: {  	s8 =	sadd.s32 $0xFFFFE003, lr  }
0x1b: {  	s9 =	sadd.s32 $0xFFFFFEF7, lr;
	s5 =	simm.s32 $0xFFFFFFFF;
	p2 =	slt.u32 s8, $0xFFFFF086  }
0x1c: {  	p1 =	slt.u32 s9, $0xF7A;
	s5 =	simm.s32 @!p2 $0x0  }
0x1d: {  	s5 =	simm.s32 @p1 $0x1;
	p0 =	seq.s32 s7, s2  }
0x1e: {  	s7 =	smul.u32 @!p0 $0xF7A, s2;
	p2 =	seq.s32 @!p0 s5, $0x0  }
0x1f: {  	s9 =	smul.u32 $0xF7A, s1;
	s8 =	simm.s32 @!p0 $0x1BF5;
	p2 =	por !p2, p0  }
0x20: {  	[sflag:s8] =	ssyncset.s32 @!p0 $0xFFFFF086;
	s6 =	sadd.s32 @!p0 s3, s7;
	s7 =	simm.s32 @!p0 $0x108  }
0x21: {  	s3 =	sadd.s32 s3, s9;
	s6 =	sadd.s32 @!p0 $0x88, s6;
	s7 =	simm.s32 @p2 $0x1082  }
0x22: {  	[simem:s7], [sflag:s8] =	dma.local @!p0 [hbm:s6], $0xF7A  }
0x23: {  	s9 =	sor.u32 $0xD0000000, s2;
	s6 =	simm.s32 $0x108;
	_ =	swait.ge @!p0 [sflag:s8], $0x0  }
0x24: {  	s3 =	sadd.s32 $0x88, s3;
	s6 =	simm.s32 @!p1 $0x1082;
	[sflag:s4] =	ssyncset.s32 $0xFFFFF086  }
0x25: {  	[simem:s6], [sflag:s4] =	dma.local [hbm:s3], $0xF7A  }
0x26: {  	[smem:$0x3F9F] =	sst s1;
	(tag) =	ssettag s2;
	_ =	strace s9  }
0x27: {  	s1 =	sld [smem:$0x3FAF]  }
0x28: {  	s2 =	sld [smem:$0x3FB0]  }
0x29: {  	s4 =	sld [smem:$0x3FB2]  }
0x2a: {  	p0 =	seq.s32 s5, $0x0;
	s5 =	sld [smem:$0x3FB3]  }
0x2b: {  	s6 =	sld [smem:$0x3FB4]  }
0x2c: {  	s7 =	sld [smem:$0x3FB5]  }
0x2d: {  	s3 =	simm.s32 $0x108;
	s8 =	sld [smem:$0x3FB6]  }
0x2e: {  	s3 =	simm.s32 @!p0 $0x1082;
	s9 =	sld [smem:$0x3FB7]  }
0x2f: {  	lr =	sadd.s32 s0, s3;
	s0 =	sld [smem:$0x3FAE]  }
0x30: {  	s3 =	sld [smem:$0x3FB1]  }
0x31: {  	[smem:$0x3FBA] =	sst s10  }
0x32: {  	s10 =	sld [smem:$0x3FB8];
	_ =	sdelay $0x3  }
0x33: {  	p0 =	seq.s32 s10, $0x1;
	s10 =	sld [smem:$0x3FBA];
	_ =	sdelay $0x3  }
0x34: {  	[smem:$0x3FBA] =	sst s10  }
0x35: {  	s10 =	sld [smem:$0x3FB9];
	_ =	sdelay $0x3  }
0x36: {  	p1 =	seq.s32 s10, $0x1;
	s10 =	sld [smem:$0x3FBA];
	_ =	sdelay $0x3  }
0x37: {  	[smem:$0x3FBA] =	sst s10  }
0x38: {  	s10 =	sld [smem:$0x3FBB]  }
0x39: {  	_ = 	snop;
	(pc) =	sbr.ind lr, $3  }
0x3a: {  	_ = 	snop  }
0x3b: {  	_ = 	snop  }
0x3c: {  	p2 =	seq.s32 s10, $0x1;
	s10 =	sld [smem:$0x3FBA]  }
0x3d: {  	_ =	shalt  }
0x3e: {  	_ =	shalt  }
0x3f: {  	_ =	shalt  }
0x40: {  	_ =	shalt  }
0x41: {  	_ =	shalt  }
0x42: {  	_ =	shalt  }
0x43: {  	_ =	shalt  }
0x44: {  	_ =	shalt  }
0x45: {  	_ =	shalt  }
0x46: {  	_ =	shalt  }
0x47: {  	_ =	shalt  }
0x48: {  	_ =	shalt  }
0x49: {  	_ =	shalt  }
0x4a: {  	_ =	shalt  }
0x4b: {  	_ =	shalt  }
0x4c: {  	_ =	shalt  }
0x4d: {  	_ =	shalt  }
0x4e: {  	_ =	shalt  }
0x4f: {  	_ =	shalt  }
0x50: {  	_ =	shalt  }
0x51: {  	_ =	shalt  }
0x52: {  	_ =	shalt  }
0x53: {  	_ =	shalt  }
0x54: {  	_ =	shalt  }
0x55: {  	_ =	shalt  }
0x56: {  	_ =	shalt  }
0x57: {  	_ =	shalt  }
0x58: {  	_ =	shalt  }
0x59: {  	_ =	shalt  }
0x5a: {  	_ =	shalt  }
0x5b: {  	_ =	shalt  }
0x5c: {  	_ =	shalt  }
0x5d: {  	_ =	shalt  }
0x5e: {  	_ =	shalt  }
0x5f: {  	_ =	shalt  }
0x60: {  	_ =	shalt  }
0x61: {  	_ =	shalt  }
0x62: {  	_ =	shalt  }
0x63: {  	_ =	shalt  }
0x64: {  	_ =	shalt  }
0x65: {  	_ =	shalt  }
0x66: {  	_ =	shalt  }
0x67: {  	_ =	shalt  }
0x68: {  	_ =	shalt  }
0x69: {  	_ =	shalt  }
0x6a: {  	_ =	shalt  }
0x6b: {  	_ =	shalt  }
0x6c: {  	_ =	shalt  }
0x6d: {  	_ =	shalt  }
0x6e: {  	_ =	shalt  }
0x6f: {  	_ =	shalt  }
0x70: {  	_ =	shalt  }
0x71: {  	_ =	shalt  }
0x72: {  	_ =	shalt  }
0x73: {  	_ =	shalt  }
0x74: {  	_ =	shalt  }
0x75: {  	_ =	shalt  }
0x76: {  	_ =	shalt  }
0x77: {  	_ =	shalt  }
0x78: {  	_ =	shalt  }
0x79: {  	_ =	shalt  }
0x7a: {  	_ =	shalt  }
0x7b: {  	_ =	shalt  }
0x7c: {  	_ =	shalt  }
0x7d: {  	_ =	shalt  }
0x7e: {  	_ =	shalt  }
0x7f: {  	_ =	shalt  }
0x80: {  	_ =	shalt  }
0x81: {  	_ =	shalt  }
0x82: {  	_ =	shalt  }
0x83: {  	_ =	shalt  }
0x84: {  	_ =	shalt  }
0x85: {  	_ =	shalt  }
0x86: {  	_ =	shalt  }
0x87: {  	_ =	shalt  }
.Lfunc_end0:
.L_simem_size_0:
called_computation_lowered:
.L_overlay_start_0:
0x88: {  	s2 =	sld [smem:$0x3FD9]  }
0x89: {  	s3 =	sld [smem:$0x3FFE];
	_ =	sdelay $0x1  }
0x8a: {  	s1 =	srdreg.scid  }
0x8b: {  	s0 =	sand.u32 $0x1, s1  }
0x8c: {  	s18 =	sshll.u32 s0, $0xA;
	s2 =	sadd.s32 s3, s2  }
0x8d: {  	s2 =	sadd.s32 s2, s18  }
0x8e: {  	[smem:$0x3FC6] =	sst s2  }
0x8f: {  	_ = 	snop  }
0x90: {  	s2 =	sld [smem:$0x3FC9]  }
0x91: {  	s19 =	sld [smem:$0x3FC8]  }
0x92: {  	s4 =	sld [smem:$0x3FD0];
	(tm) =	ssettm $0x1  }
0x93: {  	s5 =	sld [smem:$0x3FFB];
	_ =	sdelay $0x3  }
0x94: {  	_ =	strace s5  }
0x95: {  	s5 =	sld [smem:$0x3FFC];
	_ =	sdelay $0x3  }
0x96: {  	_ =	strace s5  }
0x97: {  	s5 =	sld [smem:$0x3FFD];
	_ =	sdelay $0x3  }
0x98: {  	_ =	strace s5  }
0x99: {  	_ =	strace $0x8FFFFFFF  }
0x9a: {  	s20 =	sld [smem:$0x3FDB];
	_ =	sdelay $0x1  }
0x9b: {  	s6 =	simm.s32 $_scs_section_size  }
0x9c: {  	s7 =	simm.s32 $_size__tile_overlayer_lowered;
	s8 =	simm.s32 $_tile_overlayer_lowered  }
0x9d: {  	s23 =	simm.s32 $0x1BFF;
	s22 =	sshll.u32 s8, $0x1;
	s5 =	sadd.s32 s6, s20  }
0x9e: {  	s9 =	simm.s32 $0x0;
	s21 =	sshll.u32 s7, $0x1;
	s7 =	sadd.s32 s22, s5  }
0x9f: {  	[timem:s9], [sflag:s23] =	dma.local [hbm:s7], s21  }
0xa0: {  	_ =	swait.ge [sflag:s23], s21  }
0xa1: {  	s6 =	ssub.s32 $0x0, s21;
	[sflag:s23] =	ssyncset.done $0x0  }
0xa2: {  	[sflag:s23] =	ssyncadd.s32 s6;
	_ =	sdelay $0x1  }
0xa3: {  	s24 =	simm.s32 $0x1B8B  }
0xa4: {  	_ =	swait.ge [sflag:s24], $0x1  }
0xa5: {  	[sflag:s24] =	ssyncset.done $0x0  }
0xa6: {  	s25 =	simm.s32 $0x1B8E;
	[sflag:s24] =	ssyncadd.s32 $0xFFFFFFFF  }
0xa7: {  	s26 =	simm.s32 $execute0_lowered;
	[smem:$0x3FD2] =	sst s25  }
0xa8: {  	s6 =	sshll.u32 s26, $0x1;
	_ =	strace $0x80000046;
	[dreg:$0x1] =	wrdreg $0xFFFFFFFF  }
0xa9: {  	s28 =	simm.s32 $_size_execute0_lowered;
	s5 =	sadd.s32 s5, s6;
	[dreg:$0x0] =	wrdreg $0x0  }
0xaa: {  	s6 =	sshll.u32 s28, $0x1;
	[dreg:$0x2] =	wrdreg s5  }
0xab: {  	[dreg:$0x3] =	wrdreg s6  }
0xac: {  	[dreg:$0x4] =	wrdreg $0xC0  }
0xad: {  	_ =	task [dreg:s9], $0x5FFFF  }
0xae: {  	[dreg:$0x1] =	wrdreg $0xFFFFFFFF  }
0xaf: {  	[dreg:$0x0] =	wrdreg $0x60  }
0xb0: {  	[dreg:$0x2] =	wrdreg s2  }
0xb1: {  	[dreg:$0x3] =	wrdreg s19  }
0xb2: {  	[dreg:$0x4] =	wrdreg s4  }
0xb3: {  	[dreg:$0x5] =	wrdreg $0x6000  }
0xb4: {  	[dreg:$0x6] =	wrdreg $0x8800  }
0xb5: {  	[dreg:$0x7] =	wrdreg $0x9  }
0xb6: {  	_ =	task.clear_ibuf [dreg:s9], $0x8FFFF;
	_ =	strace $0x90000046  }
0xb7: {  	s29 =	simm.s32 $0x9;
	_ =	strace $0x80000048  }
0xb8: {  	_ =	swait.ge [sflag:s29], $0x1  }
0xb9: {  	[sflag:s29] =	ssyncadd.s32 $0xFFFFFFFF  }
0xba: {  	_ =	strace $0x90000048  }
0xbb: {  	_ =	sfence  }
0xbc: {  	s30 =	sld [smem:$0x0];
	_ =	sdelay $0x2  }
0xbd: {  	s31 =	sshll.u32 s1, $0xD;
	s1 =	sshrl.u32 s1, $0x2  }
0xbe: {  	s3 =	sand.u32 $0x4000, s31;
	s1 =	sadd.s32 s1, s30  }
0xbf: {  	s0 =	sor.u32 s3, s0;
	s1 =	sshll.u32 s1, $0x11  }
0xc0: {  	s0 =	sor.u32 s1, s0  }
0xc1: {  	s0 =	sadd.s32 $0x8F2B, s0  }
0xc2: {  	[sflag:s0] =	ssyncadd.remote.s32 $0x1  }
0xc3: {  	_ =	sfence.sel $0xFFFF  }
0xc4: {  	[dreg:$0x0] =	wrdreg $0xFFFFFFFF;
	(pc) =	sbr.abs _section_cstart, $3  }
0xc5: {  	[dreg:$0x1] =	wrdreg $0xFFFFFFFF  }
0xc6: {  	_ =	task.clear_ibuf [dreg:s9], $0x2FFFF;
	_ =	strace $0x9FFFFFFF  }
0xc7: {  	(tm) =	ssettm $0x7FFFFFFF  }
tec
execute0_lowered:
.L_overlay_start_1:
0x0: {  	(tag) =	ssettag $0x1  }
0x1: {  	s1 =	rddreg [dreg:$0x0]  }
0x2: {  	s2 =	rddreg [dreg:$0x1]  }
0x3: {  	s0 =	rddreg [dreg:$0x2]  }
0x4: {  	s3 =	rddreg [dreg:$0x3]  }
0x5: {  	s4 =	rddreg [dreg:$0x4]  }
0x6: {  	s5 =	srdreg.scid;
	s6 =	simm.s32 $0x0;
	s14 =	stileid.u32  }
0x7: {  	s28 =	simm.s32 $0x480;
	s29 =	simm.s32 $0x1;
	s9 =	smul.u32 $0x280, s14  }
0x8: {  	s30 =	simm.s32 $0x50;
	s5 =	sand.u32 $0x1, s5;
	s20 =	smul.u32 $0x500, s14  }
0x9: {  	s31 =	simm.s32 $0x280;
	[smem:$0x7FF] =	sst s6;
	s12 =	smul.u32 $0x5000, s5  }
0xa: {  	s7 =	sshll.u32 s5, $0x4;
	s8 =	ssub.s32 $0x2, s5;
	s5 =	smul.u32 $0x27100, s5  }
0xb: {  	s7 =	sor.u32 s14, s7;
	s10 =	sshrl.u32 s8, $0x1;
	s14 =	smul.u32 $0x2710, s14  }
0xc: {  	_ =	strace $0x80000047;
	s11 =	smul.u32 $0x2710, s7;
	s10 =	ssub.s32 s8, s10  }
0xd: {  	s7 =	sadd.s32 s9, s3;
	s8 =	sadd.s32 s9, s4;
	s5 =	sadd.s32 s14, s5  }
0xe: {  	s10 =	smax.u32 s10, $0x1;
	s19 =	sshrl.u32 s11, $0x3;
	s11 =	sadd.s32 s20, s12  }
0xf: {  	s24 =	sadd.s32 $0x190, s5;
	s26 =	sadd.s32 $0x140, s5;
	[dreg:$0xd] =	wrdreg s10  }
0x10: {  	s10 =	simm.s32 $0x20;
	s12 =	simm.s32 $0x0;
	s13 =	sadd.s32 s1, s19  }
0x11: {  	s21 =	sadd.s32 $0xA, s19;
	s15 =	sadd.s32 s2, s19;
	[dreg:$0x6] =	wrdreg s13  }
0x12: {  	s9 =	sadd.s32 $0x14, s19;
	[dreg:$0x7] =	wrdreg s15;
	s22 =	sadd.s32 s1, s21  }
0x13: {  	s11 =	sshrl.u32 s11, $0x3;
	s13 =	sadd.s32 s2, s21;
	[dreg:$0x8] =	wrdreg s22  }
0x14: {  	s23 =	sadd.s32 s1, s9;
	s9 =	sadd.s32 s2, s9;
	[dreg:$0x9] =	wrdreg s13  }
0x15: {  	s15 =	sadd.s32 s0, s11;
	s0 =	sshrl.u32 s24, $0x3;
	[dreg:$0xa] =	wrdreg s23  }
0x16: {  	s24 =	simm.s32 $0x300;
	s11 =	simm.s32 $0x10;
	[dreg:$0xb] =	wrdreg s9  }
.Ltmp0:
0x17: {  	s25 =	sadd.s32 $0x10, s15;
	s18 =	sadd.s32 s0, s2;
	(pc) =	sbr.rel .LBB2_1-.Ltmp0, $4  }
0x18: {  	s9 =	sshrl.u32 s26, $0x3;
	s19 =	sadd.s32 s0, s1;
	s13 =	sadd.s32 $0xF0, s5  }
0x19: {  	s23 =	simm.s32 $0x3;
	s26 =	simm.s32 $0x400;
	s0 =	simm.s32 $0x500  }
0x1a: {  	s5 =	simm.s32 $0x580;
	[dreg:$0xc] =	wrdreg s25;
	s20 =	sadd.s32 s9, s2  }
0x1b: {  	v0 =	vimm.f32 $0.0e+00;
	v1 =	vimm.f32 $1.000000000e+00;
	s21 =	sadd.s32 s9, s1;
	s25 =	simm.s32 $0x380;
	s9 =	simm.s32 $0x2  }
.LBB2_4:
0x1c: {  	_ =	swait.ge [sflag:s29], $0x50  }
0x1d: {  	[sflag:s29] =	ssyncset.done $0x0  }
0x1e: {  	[sflag:s29] =	ssyncadd.s32 $0xFFFFFFB0  }
0x1f: {  	_ =	swait.ge [sflag:s29], $0x50  }
0x20: {  	[sflag:s29] =	ssyncset.done $0x0  }
0x21: {  	[sflag:s29] =	ssyncadd.s32 $0xFFFFFFB0  }
0x22: {  	_ =	swait.ge [sflag:s9], $0x50  }
0x23: {  	[sflag:s9] =	ssyncset.done $0x0  }
0x24: {  	[sflag:s9] =	ssyncadd.s32 $0xFFFFFFB0  }
0x25: {  	_ =	swait.ge [sflag:s9], $0x50  }
0x26: {  	[sflag:s9] =	ssyncset.done $0x0  }
0x27: {  	[sflag:s9] =	ssyncadd.s32 $0xFFFFFFB0  }
0x28: {  	[spmem:s3] =	stream.indirect.scatter.add.f32 [tilespmem:s31], [sflag:$0x2], $0x1, s26, s30, $0xb8;
	[tilespmem:$0xB00] =	vst v63  }
0x29: {  	_ = 	snop  }
0x2a: {  	[spmem:s4] =	stream.indirect.scatter.add.f32 [tilespmem:s31], [sflag:$0x2], $0x1, s28, s30, $0xb8;
	[tilespmem:$0xB00] =	vst v63  }
0x2b: {  	_ =	swait.ge [sflag:s9], $0x50  }
0x2c: {  	[sflag:s9] =	ssyncset.done $0x0  }
0x2d: {  	[sflag:s9] =	ssyncadd.s32 $0xFFFFFFB0  }
0x2e: {  	_ =	swait.ge [sflag:s9], $0x50  }
0x2f: {  	s14 =	stileid.u32;
	[sflag:s9] =	ssyncset.done $0x0  }
0x30: {  	s14 =	sshll.u32 s14, $0x6;
	[sflag:s9] =	ssyncadd.s32 $0xFFFFFFB0  }
0x31: {  	s16 =	sshrl.u32 s7, $0x3;
	s14 =	sor.u32 $0x1C03, s14;
	[bflag:$0x0] =	sbarrier.arrive $0xFFFF  }
0x32: {  	[hbm:s15@s10], [sflag:s14] =	dma.strided [spmem:s16@s11], $0x50, s29, $0x10   }
0x33: {  	_ =	swait.ge [sflag:s23], $0x50  }
0x34: {  	[sflag:s23] =	ssyncset.done $0x0  }
0x35: {  	s22 =	sshrl.u32 s8, $0x3;
	s17 =	rddreg [dreg:$0xc];
	[sflag:s23] =	ssyncadd.s32 $0xFFFFFFB0  }
0x36: {  	[hbm:s17@s10], [sflag:s14] =	dma.strided [spmem:s22@s11], $0x50, s29, $0x10   }
0x37: {  	_ =	swait.ge [sflag:s23], $0x50  }
0x38: {  	s12 =	sadd.s32 $0x1, s12;
	s22 =	rddreg [dreg:$0xd]  }
0x39: {  	p0 =	sne.s32 s12, s22  }
.Ltmp1:
0x3a: {  	_ = 	snop;
	(pc) =	sbr.rel @!p0 .LBB2_5-.Ltmp1, $3  }
0x3b: {  	_ =	sdelay $0x1  }
0x3c: {  	[sflag:s23] =	ssyncset.done $0x0  }
0x3d: {  	[sflag:s23] =	ssyncadd.s32 $0xFFFFFFB0  }
.LBB2_1:
0x3e: {  	[tilespmem:$0x0] =	vst v0  }
0x3f: {  	[tilespmem:$0x10] =	vst v0  }
0x40: {  	[tilespmem:$0x20] =	vst v0  }
0x41: {  	[tilespmem:$0x30] =	vst v0  }
0x42: {  	[tilespmem:$0x40] =	vst v0  }
0x43: {  	[tilespmem:$0x50] =	vst v0  }
0x44: {  	[tilespmem:$0x60] =	vst v0  }
0x45: {  	[tilespmem:$0x70] =	vst v0  }
0x46: {  	[tilespmem:$0x80] =	vst v0  }
0x47: {  	[tilespmem:$0x90] =	vst v0  }
0x48: {  	[tilespmem:$0xA0] =	vst v0  }
0x49: {  	[tilespmem:$0xB0] =	vst v0  }
0x4a: {  	[tilespmem:$0xC0] =	vst v0  }
0x4b: {  	[tilespmem:$0xD0] =	vst v0  }
0x4c: {  	[tilespmem:$0xE0] =	vst v0  }
0x4d: {  	[tilespmem:$0xF0] =	vst v0  }
0x4e: {  	[tilespmem:$0x100] =	vst v0  }
0x4f: {  	[tilespmem:$0x110] =	vst v0  }
0x50: {  	[tilespmem:$0x120] =	vst v0  }
0x51: {  	[tilespmem:$0x130] =	vst v0  }
0x52: {  	[tilespmem:$0x140] =	vst v0  }
0x53: {  	[tilespmem:$0x150] =	vst v0  }
0x54: {  	[tilespmem:$0x160] =	vst v0  }
0x55: {  	[tilespmem:$0x170] =	vst v0  }
0x56: {  	[tilespmem:$0x180] =	vst v0  }
0x57: {  	[tilespmem:$0x190] =	vst v0  }
0x58: {  	[tilespmem:$0x1A0] =	vst v0  }
0x59: {  	[tilespmem:$0x1B0] =	vst v0  }
0x5a: {  	[tilespmem:$0x1C0] =	vst v0  }
0x5b: {  	[tilespmem:$0x1D0] =	vst v0  }
0x5c: {  	[tilespmem:$0x1E0] =	vst v0  }
0x5d: {  	[tilespmem:$0x1F0] =	vst v0  }
0x5e: {  	[tilespmem:$0x200] =	vst v0  }
0x5f: {  	[tilespmem:$0x210] =	vst v0  }
0x60: {  	[tilespmem:$0x220] =	vst v0  }
0x61: {  	[tilespmem:$0x230] =	vst v0  }
0x62: {  	[tilespmem:$0x240] =	vst v0  }
0x63: {  	[tilespmem:$0x250] =	vst v0  }
0x64: {  	[tilespmem:$0x260] =	vst v0  }
0x65: {  	[tilespmem:$0x270] =	vst v0  }
0x66: {  	[tilespmem:$0x280] =	vst v1  }
0x67: {  	[tilespmem:$0x290] =	vst v1  }
0x68: {  	[tilespmem:$0x2A0] =	vst v1  }
0x69: {  	[tilespmem:$0x2B0] =	vst v1  }
0x6a: {  	[tilespmem:$0x2C0] =	vst v1  }
0x6b: {  	[spmem:s7] =	stream.linear.scatter [tilespmem:s6], [sflag:$0x3], $0x280, $0x38;
	[tilespmem:$0xB00] =	vst v63  }
0x6c: {  	_ =	swait.ge [sflag:s23], $0x280  }
0x6d: {  	[sflag:s23] =	ssyncset.done $0x0  }
0x6e: {  	[sflag:s23] =	ssyncadd.s32 $0xFFFFFD80  }
0x6f: {  	[spmem:s8] =	stream.linear.scatter [tilespmem:s6], [sflag:$0x3], $0x280, $0x38;
	[tilespmem:$0xB00] =	vst v63  }
0x70: {  	_ =	swait.ge [sflag:s23], $0x280  }
0x71: {  	[sflag:s23] =	ssyncset.done $0x0  }
0x72: {  	[sflag:s23] =	ssyncadd.s32 $0xFFFFFD80  }
0x73: {  	[bflag:$0x0] =	sbarrier.arrive $0xFFFF  }
0x74: {  	s14 =	rddreg [dreg:$0x6]  }
0x75: {  	[tilespmem:s24], [sflag:$0x1] =	stream.linear.gather [hbm4b:s14+s6], $0x50, $0x38;
	[tilespmem:$0xB00] =	vst v63  }
0x76: {  	s17 =	rddreg [dreg:$0x7]  }
0x77: {  	[tilespmem:s25], [sflag:$0x1] =	stream.linear.gather [hbm4b:s17+s6], $0x50, $0x38;
	[tilespmem:$0xB00] =	vst v63  }
0x78: {  	s22 =	rddreg [dreg:$0x8]  }
0x79: {  	[tilespmem:s26], [sflag:$0x1] =	stream.linear.gather [hbm4b:s22+s6], $0x50, $0x38;
	[tilespmem:$0xB00] =	vst v63  }
0x7a: {  	s16 =	rddreg [dreg:$0x9]  }
0x7b: {  	[tilespmem:s28], [sflag:$0x1] =	stream.linear.gather [hbm4b:s16+s6], $0x50, $0x38;
	[tilespmem:$0xB00] =	vst v63  }
0x7c: {  	_ =	swait.ge [sflag:s29], $0x50  }
0x7d: {  	[sflag:s29] =	ssyncset.done $0x0  }
0x7e: {  	[sflag:s29] =	ssyncadd.s32 $0xFFFFFFB0  }
0x7f: {  	_ =	swait.ge [sflag:s29], $0x50  }
0x80: {  	[sflag:s29] =	ssyncset.done $0x0  }
0x81: {  	[sflag:s29] =	ssyncadd.s32 $0xFFFFFFB0  }
0x82: {  	[spmem:s3] =	stream.indirect.scatter.add.f32 [tilespmem:s31], [sflag:$0x2], $0x1, s24, s30, $0xb8;
	[tilespmem:$0xB00] =	vst v63  }
0x83: {  	_ = 	snop  }
0x84: {  	[spmem:s4] =	stream.indirect.scatter.add.f32 [tilespmem:s31], [sflag:$0x2], $0x1, s25, s30, $0xb8;
	[tilespmem:$0xB00] =	vst v63  }
0x85: {  	s17 =	rddreg [dreg:$0xa]  }
0x86: {  	[tilespmem:s0], [sflag:$0x1] =	stream.linear.gather [hbm4b:s17+s6], $0x50, $0x38;
	[tilespmem:$0xB00] =	vst v63  }
0x87: {  	s22 =	rddreg [dreg:$0xb]  }
0x88: {  	[tilespmem:s5], [sflag:$0x1] =	stream.linear.gather [hbm4b:s22+s6], $0x50, $0x38;
	[tilespmem:$0xB00] =	vst v63  }
0x89: {  	s14 =	simm.s32 $0x0;
	s22 =	smov.u32 s13  }
.LBB2_2:
0x8a: {  	_ =	swait.ge [sflag:s29], $0x50  }
0x8b: {  	[sflag:s29] =	ssyncset.done $0x0  }
0x8c: {  	[sflag:s29] =	ssyncadd.s32 $0xFFFFFFB0  }
0x8d: {  	_ =	swait.ge [sflag:s29], $0x50  }
0x8e: {  	[sflag:s29] =	ssyncset.done $0x0  }
0x8f: {  	[sflag:s29] =	ssyncadd.s32 $0xFFFFFFB0  }
0x90: {  	_ =	swait.ge [sflag:s9], $0x50  }
0x91: {  	[sflag:s9] =	ssyncset.done $0x0  }
0x92: {  	[sflag:s9] =	ssyncadd.s32 $0xFFFFFFB0  }
0x93: {  	_ =	swait.ge [sflag:s9], $0x50  }
0x94: {  	[sflag:s9] =	ssyncset.done $0x0  }
0x95: {  	[sflag:s9] =	ssyncadd.s32 $0xFFFFFFB0  }
0x96: {  	[spmem:s3] =	stream.indirect.scatter.add.f32 [tilespmem:s31], [sflag:$0x2], $0x1, s26, s30, $0xb8;
	[tilespmem:$0xB00] =	vst v63  }
0x97: {  	s16 =	sshrl.u32 s22, $0x3  }
0x98: {  	[spmem:s4] =	stream.indirect.scatter.add.f32 [tilespmem:s31], [sflag:$0x2], $0x1, s28, s30, $0xb8;
	[tilespmem:$0xB00] =	vst v63  }
0x99: {  	s17 =	sadd.s32 s1, s16  }
0x9a: {  	[tilespmem:s24], [sflag:$0x1] =	stream.linear.gather [hbm4b:s17+s6], $0x50, $0x38;
	[tilespmem:$0xB00] =	vst v63  }
0x9b: {  	s16 =	sadd.s32 s2, s16  }
0x9c: {  	[tilespmem:s25], [sflag:$0x1] =	stream.linear.gather [hbm4b:s16+s6], $0x50, $0x38;
	[tilespmem:$0xB00] =	vst v63  }
0x9d: {  	_ =	swait.ge [sflag:s29], $0x50  }
0x9e: {  	[sflag:s29] =	ssyncset.done $0x0  }
0x9f: {  	[sflag:s29] =	ssyncadd.s32 $0xFFFFFFB0  }
0xa0: {  	_ =	swait.ge [sflag:s29], $0x50  }
0xa1: {  	[sflag:s29] =	ssyncset.done $0x0  }
0xa2: {  	[sflag:s29] =	ssyncadd.s32 $0xFFFFFFB0  }
0xa3: {  	_ =	swait.ge [sflag:s9], $0x50  }
0xa4: {  	[sflag:s9] =	ssyncset.done $0x0  }
0xa5: {  	[sflag:s9] =	ssyncadd.s32 $0xFFFFFFB0  }
0xa6: {  	_ =	swait.ge [sflag:s9], $0x50  }
0xa7: {  	[sflag:s9] =	ssyncset.done $0x0  }
0xa8: {  	[sflag:s9] =	ssyncadd.s32 $0xFFFFFFB0  }
0xa9: {  	[spmem:s3] =	stream.indirect.scatter.add.f32 [tilespmem:s31], [sflag:$0x2], $0x1, s0, s30, $0xb8;
	[tilespmem:$0xB00] =	vst v63  }
0xaa: {  	_ = 	snop  }
0xab: {  	[spmem:s4] =	stream.indirect.scatter.add.f32 [tilespmem:s31], [sflag:$0x2], $0x1, s5, s30, $0xb8;
	[tilespmem:$0xB00] =	vst v63  }
0xac: {  	s17 =	sadd.s32 s14, s21  }
0xad: {  	[tilespmem:s26], [sflag:$0x1] =	stream.linear.gather [hbm4b:s17+s6], $0x50, $0x38;
	[tilespmem:$0xB00] =	vst v63  }
0xae: {  	s17 =	sadd.s32 s14, s20  }
0xaf: {  	[tilespmem:s28], [sflag:$0x1] =	stream.linear.gather [hbm4b:s17+s6], $0x50, $0x38;
	[tilespmem:$0xB00] =	vst v63  }
0xb0: {  	_ =	swait.ge [sflag:s29], $0x50  }
0xb1: {  	[sflag:s29] =	ssyncset.done $0x0  }
0xb2: {  	[sflag:s29] =	ssyncadd.s32 $0xFFFFFFB0  }
0xb3: {  	_ =	swait.ge [sflag:s29], $0x50  }
0xb4: {  	[sflag:s29] =	ssyncset.done $0x0  }
0xb5: {  	[sflag:s29] =	ssyncadd.s32 $0xFFFFFFB0  }
0xb6: {  	_ =	swait.ge [sflag:s9], $0x50  }
0xb7: {  	[sflag:s9] =	ssyncset.done $0x0  }
0xb8: {  	[sflag:s9] =	ssyncadd.s32 $0xFFFFFFB0  }
0xb9: {  	p0 =	seq.s32 s14, $0x4B0;
	_ =	swait.ge [sflag:s9], $0x50  }
.Ltmp2:
0xba: {  	[sflag:s9] =	ssyncset.done $0x0;
	(pc) =	sbr.rel @p0 .LBB2_4-.Ltmp2, $4  }
0xbb: {  	[sflag:s9] =	ssyncadd.s32 $0xFFFFFFB0  }
0xbc: {  	[spmem:s3] =	stream.indirect.scatter.add.f32 [tilespmem:s31], [sflag:$0x2], $0x1, s24, s30, $0xb8;
	[tilespmem:$0xB00] =	vst v63  }
0xbd: {  	_ = 	snop  }
0xbe: {  	[spmem:s4] =	stream.indirect.scatter.add.f32 [tilespmem:s31], [sflag:$0x2], $0x1, s25, s30, $0xb8;
	[tilespmem:$0xB00] =	vst v63  }
.Ltmp3:
0xbf: {  	(pc) =	sbr.rel .LBB2_2-.Ltmp3, $4  }
0xc0: {  	s16 =	sadd.s32 s14, s19  }
0xc1: {  	[tilespmem:s0], [sflag:$0x1] =	stream.linear.gather [hbm4b:s16+s6], $0x50, $0x38;
	[tilespmem:$0xB00] =	vst v63  }
0xc2: {  	s17 =	sadd.s32 s14, s18;
	s14 =	sadd.s32 $0x1E, s14;
	s22 =	sadd.s32 $0xF0, s22  }
0xc3: {  	[tilespmem:s5], [sflag:$0x1] =	stream.linear.gather [hbm4b:s17+s6], $0x50, $0x38;
	[tilespmem:$0xB00] =	vst v63  }
.LBB2_5:
0xc4: {  	_ =	sfence.sel $0x180000  }
0xc5: {  	[bflag:$0x0] =	sbarrier.arrive $0xFFFF  }
0xc6: {  	_ =	strace $0x90000047  }
0xc7: {  	s0 =	stileid.u32;
	[bflag:$0x2] =	sbarrier.arrive $0xFFFF  }
0xc8: {  	p0 =	sne.s32 s0, $0x0;
	s0 =	rddreg [dreg:$0x5]  }
0xc9: {  	s0 =	sadd.s32 @!p0 $0x100000, s0  }
0xca: {  	[sflag:s0] =	ssyncadd.tile.s32 @!p0 $0x1;
	_ =	shalt  }
.Lfunc_end2:
_tile_overlayer_lowered:
.L_overlay_start_2:
0xcb: {  	(tag) =	ssettag $0x2  }
0xcc: {  	s0 =	rddreg [dreg:$0x0];
	s2 =	stileid.u32  }
0xcd: {  	s1 =	rddreg [dreg:$0x1];
	p0 =	sne.s32 s2, $0x0  }
0xce: {  	s3 =	rddreg [dreg:$0x2];
	[bflag:$0x3] =	sbarrier.arrive $0xFFFF;
	s2 =	simm.s32 @!p0 $0x1C03  }
0xcf: {  	[timem:s3], [sflag:s2] =	dma.local @!p0 [hbm:s0], s1  }
0xd0: {  	s0 =	simm.s32 @!p0 $0x3  }
0xd1: {  	_ =	swait.ge @!p0 [sflag:s0], s1  }
0xd2: {  	s1 =	ssub.s32 @!p0 $0x0, s1;
	[sflag:s0] =	ssyncset.done @!p0 $0x0  }
0xd3: {  	[sflag:s0] =	ssyncadd.s32 @!p0 s1  }
0xd4: {  	[bflag:$0x3] =	sbarrier.arrive $0xFFFF  }
0xd5: {  	_ =	shalt  }

</sc_bundles>
